<compile_context>
chip_gen: v7x
topology: tpu7x:2x2x1
jax: 0.10.2.dev20260603
libtpu: 0.0.44.dev20260713+nightly
codegen_flags: <defaults>
</compile_context>

<pallas_src>
import functools
import math

import jax
import jax.numpy as jnp
import numpy as np
from jax import lax
from jax.experimental import pallas as pl
from jax.experimental.pallas import tpu as pltpu

_FCT = 5


def _pair_kernel(q_ref, k_ref, v_ref, cnt_ref, cntT_ref, o_ref, *,
                 L, D, U, U_pad, CH):
    f32 = jnp.float32
    hi = lax.Precision.HIGHEST
    df = lax.Precision.DEFAULT
    q2 = q_ref[...].reshape(L, 2 * D)
    k2 = k_ref[...].reshape(L, 2 * D)
    v2 = v_ref[...].reshape(L, 2 * D)

    kc2 = lax.dot_general(cnt_ref[...], k2, (((1,), (0,)), ((), ())),
                          preferred_element_type=f32, precision=df)
    qb2 = q2.astype(jnp.bfloat16).astype(f32)
    hsel = (lax.broadcasted_iota(jnp.int32, (2, 2 * D), 1) // D ==
            lax.broadcasted_iota(jnp.int32, (2, 2 * D), 0)).astype(f32)
    ssum2 = lax.dot_general(hsel, qb2 * kc2, (((1,), (1,)), ((), ())),
                            preferred_element_type=f32, precision=hi)

    m_rows = []
    for hh in range(2):
        sl = slice(hh * D, (hh + 1) * D)
        q = q2[:, sl]
        k = k2[:, sl]
        smax_parts = []
        for c in range(L // CH):
            qc = q[c * CH:(c + 1) * CH, :]
            s_t = lax.dot_general(k, qc, (((1,), (1,)), ((), ())),
                                  preferred_element_type=f32, precision=df)
            cT = cntT_ref[:, c * CH:(c + 1) * CH]
            smax_parts.append(jnp.max(
                jnp.where(cT > 0, s_t, -1e30), axis=0, keepdims=True))
        m_rows.append(jnp.concatenate(smax_parts, axis=1))
    m2 = jnp.concatenate(m_rows, axis=0) - ssum2 * (1.0 / L)

    lo = jnp.min(m2, axis=1, keepdims=True) - 1.0
    bhi = jnp.max(m2, axis=1, keepdims=True) + 1.0
    uf = jnp.float32(U)
    for _ in range(44):
        mid = (lo + bhi) * 0.5
        cgt = jnp.sum((m2 >= mid).astype(f32), axis=1, keepdims=True)
        take = cgt >= uf
        lo = jnp.where(take, mid, lo)
        bhi = jnp.where(take, bhi, mid)

    maskf = (m2 >= lo).astype(f32)
    incl = maskf
    sh = 1
    while sh < L:
        incl = incl + jnp.concatenate(
            [jnp.zeros((2, sh), f32), incl[:, :L - sh]], axis=1)
        sh *= 2
    rank = incl - maskf
    ri = lax.broadcasted_iota(jnp.int32, (U_pad, 1), 0).astype(f32)

    ctxs = []
    for hh in range(2):
        sl = slice(hh * D, (hh + 1) * D)
        q = q2[:, sl]
        k = k2[:, sl]
        v = v2[:, sl]
        rk = rank[hh:hh + 1, :]
        mk = maskf[hh:hh + 1, :]
        p = ((ri == rk) & (mk > 0) & (rk < uf)).astype(f32)

        qr = lax.dot_general(p, q, (((1,), (0,)), ((), ())),
                             preferred_element_type=f32, precision=hi)
        st = lax.dot_general(qr, k, (((1,), (1,)), ((), ())),
                             preferred_element_type=f32, precision=hi)
        st = st * (1.0 / math.sqrt(D))
        mt = jnp.max(st, axis=1, keepdims=True)
        e = jnp.exp(st - mt)
        a = e / jnp.sum(e, axis=1, keepdims=True)
        upd = lax.dot_general(a, v, (((1,), (0,)), ((), ())),
                              preferred_element_type=f32, precision=hi)

        vmean = jnp.sum(v, axis=0, keepdims=True) * (1.0 / L)
        ctxs.append(vmean + lax.dot_general(
            p, upd - vmean, (((0,), (0,)), ((), ())),
            preferred_element_type=f32, precision=hi))

    o_ref[...] = jnp.concatenate(ctxs, axis=1).reshape(o_ref.shape)


def kernel(queries, keys, values):
    B, L, H, D = queries.shape
    L_K = keys.shape[1]
    u_samp = min(_FCT * int(np.ceil(np.log(L_K))), L_K)
    U = min(_FCT * int(np.ceil(np.log(L))), L)
    U_pad = max(8, ((U + 63) // 64) * 64)
    CH = 512

    idx = jax.random.randint(jax.random.key(42), (L, u_samp), 0, L_K)
    cnt = jnp.zeros((L, L_K), jnp.int32).at[
        jnp.arange(L)[:, None], idx].add(1, mode="drop").astype(jnp.bfloat16)
    cntT = cnt.T

    q3 = queries.reshape(B, L, H * D)
    k3 = keys.reshape(B, L, H * D)
    v3 = values.reshape(B, L, H * D)

    body = functools.partial(_pair_kernel, L=L, D=D, U=U, U_pad=U_pad, CH=CH)
    out = pl.pallas_call(
        body,
        grid=(B, H // 2),
        in_specs=[
            pl.BlockSpec((1, L, 2 * D), lambda b, j: (b, 0, j)),
            pl.BlockSpec((1, L, 2 * D), lambda b, j: (b, 0, j)),
            pl.BlockSpec((1, L, 2 * D), lambda b, j: (b, 0, j)),
            pl.BlockSpec((L, L_K), lambda b, j: (0, 0)),
            pl.BlockSpec((L_K, L), lambda b, j: (0, 0)),
        ],
        out_specs=pl.BlockSpec((1, L, 2 * D), lambda b, j: (b, 0, j)),
        out_shape=jax.ShapeDtypeStruct((B, L, H * D), jnp.float32),
        compiler_params=pltpu.CompilerParams(
            dimension_semantics=("parallel", "parallel"),
        ),
    )(q3, k3, v3, cnt, cntT)
    return out.reshape(B, L, H, D)

# --- scband reference (transcript-rebuilt; emitter-appended) ---
"""Pipeline reference for scband-prob-attention-17910013624419 (READ-ONLY COPY).

The authoritative reference and input builder live on the scoring server;
editing this copy changes nothing except your own understanding.
"""

import jax, jax.numpy as jnp
import numpy as np
import math

FACTOR = 5

def setup_inputs(seed: int = 0) -> dict:
    key = jax.random.key(seed)
    k1, k2, k3 = jax.random.split(key, 3)
    B, L, H, D = 4, 2048, 16, 64
    return {
        "queries": jax.random.normal(k1, (B, L, H, D), dtype=jnp.float32),
        "keys": jax.random.normal(k2, (B, L, H, D), dtype=jnp.float32),
        "values": jax.random.normal(k3, (B, L, H, D), dtype=jnp.float32),
    }

def reference(queries, keys, values):
    B, L_Q, H, D = queries.shape
    L_K = keys.shape[1]
    Q = jnp.transpose(queries, (0, 2, 1, 3))
    K = jnp.transpose(keys, (0, 2, 1, 3))
    V = jnp.transpose(values, (0, 2, 1, 3))
    U_part = FACTOR * int(np.ceil(np.log(L_K)))
    u = FACTOR * int(np.ceil(np.log(L_Q)))
    U_part = U_part if U_part < L_K else L_K
    u = u if u < L_Q else L_Q
    # _prob_QK: sample_k = u, n_top = U_part
    idx_key = jax.random.key(42)
    index_sample = jax.random.randint(idx_key, (L_Q, u), 0, L_K)  # [L_Q, u]
    K_sample = K[:, :, index_sample, :]  # [B, H, L_Q, u, D]
    Q_K_sample = jnp.einsum('bhld,bhlsd->bhls', Q, K_sample)  # [B, H, L_Q, u]
    M = Q_K_sample.max(axis=-1) - Q_K_sample.sum(axis=-1) / L_K  # [B, H, L_Q]
    _, M_top = jax.lax.top_k(M, U_part)  # [B, H, U_part]
    Q_reduce = jnp.take_along_axis(Q, M_top[..., None], axis=2)  # [B, H, U_part, D]
    scores_top = jnp.matmul(Q_reduce, jnp.swapaxes(K, -2, -1))  # [B, H, U_part, L_K]
    scale = 1.0 / math.sqrt(D)
    scores_top = scores_top * scale
    # _get_initial_context (mask_flag=False): mean over keys
    V_sum = jnp.mean(V, axis=-2)  # [B, H, D]
    context = jnp.broadcast_to(V_sum[:, :, None, :], (B, H, L_Q, D))
    # _update_context (no mask)
    attn = jax.nn.softmax(scores_top, axis=-1)  # [B, H, U_part, L_K]
    upd = jnp.matmul(attn, V)  # [B, H, U_part, D]
    bi = jnp.arange(B)[:, None, None]
    hi = jnp.arange(H)[None, :, None]
    context = context.at[bi, hi, M_top].set(upd)
    return jnp.transpose(context, (0, 2, 1, 3))

if __name__ == "__main__":
    import jax
    _d = setup_inputs()
    print(jax.jit(kernel)(*tuple(_d.values())))

</pallas_src>

<mosaic_0001>
module attributes {stable_mosaic.version = 14 : i64} {
  func.func @_pair_kernel(%arg0: i32, %arg1: i32, %arg2: memref<1x2048x128xf32, #tpu.memory_space<vmem>>, %arg3: memref<1x2048x128xf32, #tpu.memory_space<vmem>>, %arg4: memref<1x2048x128xf32, #tpu.memory_space<vmem>>, %arg5: memref<2048x2048xbf16, #tpu.memory_space<vmem>>, %arg6: memref<2048x2048xbf16, #tpu.memory_space<vmem>>, %arg7: memref<1x2048x128xf32, #tpu.memory_space<vmem>>) attributes {dimension_semantics = [#tpu.dimension_semantics<parallel>, #tpu.dimension_semantics<parallel>], iteration_bounds = array<i64: 4, 8>, scalar_prefetch = 0 : i64, scratch_operands = 0 : i64, tpu.core_type = #tpu.core_type<tc>, window_params = [{transform_indices = @transform_0, window_bounds = array<i64: 1, 2048, 128>}, {transform_indices = @transform_1, window_bounds = array<i64: 1, 2048, 128>}, {transform_indices = @transform_2, window_bounds = array<i64: 1, 2048, 128>}, {pipeline_mode = #tpu.pipeline_mode<synchronous>, transform_indices = @transform_3, window_bounds = array<i64: 2048, 2048>}, {pipeline_mode = #tpu.pipeline_mode<synchronous>, transform_indices = @transform_4, window_bounds = array<i64: 2048, 2048>}, {transform_indices = @transform_5, window_bounds = array<i64: 1, 2048, 128>}]} {
    %get3A = arith.constant 0 : index
    %get3A_0 = arith.constant 0 : index
    %get3A_1 = arith.constant 0 : index
    %get3A_2 = vector.load %arg2[%get3A, %get3A_0, %get3A_1] : memref<1x2048x128xf32, #tpu.memory_space<vmem>>, vector<1x2048x128xf32>
    %reshape3A = vector.shape_cast %get3A_2 : vector<1x2048x128xf32> to vector<2048x128xf32>
    %get3A_3 = arith.constant 0 : index
    %get3A_4 = arith.constant 0 : index
    %get3A_5 = arith.constant 0 : index
    %get3A_6 = vector.load %arg3[%get3A_3, %get3A_4, %get3A_5] : memref<1x2048x128xf32, #tpu.memory_space<vmem>>, vector<1x2048x128xf32>
    %reshape3A_7 = vector.shape_cast %get3A_6 : vector<1x2048x128xf32> to vector<2048x128xf32>
    %get3A_8 = arith.constant 0 : index
    %get3A_9 = arith.constant 0 : index
    %get3A_10 = arith.constant 0 : index
    %get3A_11 = vector.load %arg4[%get3A_8, %get3A_9, %get3A_10] : memref<1x2048x128xf32, #tpu.memory_space<vmem>>, vector<1x2048x128xf32>
    %reshape3A_12 = vector.shape_cast %get3A_11 : vector<1x2048x128xf32> to vector<2048x128xf32>
    %get3A_13 = arith.constant 0 : index
    %get3A_14 = arith.constant 0 : index
    %get3A_15 = vector.load %arg5[%get3A_13, %get3A_14] : memref<2048x2048xbf16, #tpu.memory_space<vmem>>, vector<2048x2048xbf16>
    %dot_general3A = arith.constant dense<0.000000e+00> : vector<2048x128xf32>
    %dot_general3A_16 = tpu.matmul %get3A_15, %reshape3A_7, %dot_general3A {dimension_numbers = #tpu.dot_dimension_numbers<[1], [0], [0], [1], [0, 0, 1, 1], [], []>, transpose_lhs_hint = false} : vector<2048x2048xbf16>, vector<2048x128xf32>, vector<2048x128xf32> -> vector<2048x128xf32>
    %convert_element_type3A = arith.truncf %reshape3A : vector<2048x128xf32> to vector<2048x128xbf16>
    %convert_element_type3A_17 = arith.extf %convert_element_type3A : vector<2048x128xbf16> to vector<2048x128xf32>
    %iota3A = tpu.iota {dimensions = array<i32: 1>} : vector<2x128xi32>
    %jit3A = arith.constant 64 : i32
    %div3A = vector.broadcast %jit3A : i32 to vector<2x128xi32>
    %div3A_18 = arith.divsi %iota3A, %div3A : vector<2x128xi32>
    %sign3A = arith.constant 0 : i32
    %sign3A_19 = vector.broadcast %sign3A : i32 to vector<2x128xi32>
    %sign3A_20 = arith.cmpi sgt, %iota3A, %sign3A_19 : vector<2x128xi32>
    %sign3A_21 = arith.extui %sign3A_20 : vector<2x128xi1> to vector<2x128xi32>
    %sign3A_22 = arith.constant 0 : i32
    %sign3A_23 = vector.broadcast %sign3A_22 : i32 to vector<2x128xi32>
    %sign3A_24 = arith.cmpi slt, %iota3A, %sign3A_23 : vector<2x128xi32>
    %sign3A_25 = arith.extui %sign3A_24 : vector<2x128xi1> to vector<2x128xi32>
    %sign3A_26 = arith.subi %sign3A_21, %sign3A_25 : vector<2x128xi32>
    %sign3A_27 = arith.constant 0 : i32
    %sign3A_28 = arith.cmpi sgt, %jit3A, %sign3A_27 : i32
    %sign3A_29 = arith.extui %sign3A_28 : i1 to i32
    %sign3A_30 = arith.constant 0 : i32
    %sign3A_31 = arith.cmpi slt, %jit3A, %sign3A_30 : i32
    %sign3A_32 = arith.extui %sign3A_31 : i1 to i32
    %sign3A_33 = arith.subi %sign3A_29, %sign3A_32 : i32
    %ne3A = vector.broadcast %sign3A_33 : i32 to vector<2x128xi32>
    %ne3A_34 = arith.cmpi ne, %sign3A_26, %ne3A : vector<2x128xi32>
    %rem3A = vector.broadcast %jit3A : i32 to vector<2x128xi32>
    %rem3A_35 = arith.remsi %iota3A, %rem3A : vector<2x128xi32>
    %ne3A_36 = arith.constant 0 : i32
    %ne3A_37 = vector.broadcast %ne3A_36 : i32 to vector<2x128xi32>
    %ne3A_38 = arith.cmpi ne, %rem3A_35, %ne3A_37 : vector<2x128xi32>
    %and3A = arith.andi %ne3A_34, %ne3A_38 : vector<2x128xi1>
    %sub3A = arith.constant 1 : i32
    %sub3A_39 = vector.broadcast %sub3A : i32 to vector<2x128xi32>
    %sub3A_40 = arith.subi %div3A_18, %sub3A_39 : vector<2x128xi32>
    %select_n3A = arith.select %and3A, %sub3A_40, %div3A_18 : vector<2x128xi1>, vector<2x128xi32>
    %iota3A_41 = tpu.iota {dimensions = array<i32: 0>} : vector<2x128xi32>
    %eq3A = arith.cmpi eq, %select_n3A, %iota3A_41 : vector<2x128xi32>
    %convert_element_type3A_42 = arith.extui %eq3A : vector<2x128xi1> to vector<2x128xi32>
    %convert_element_type3A_43 = arith.sitofp %convert_element_type3A_42 : vector<2x128xi32> to vector<2x128xf32>
    %mul3A = arith.mulf %convert_element_type3A_17, %dot_general3A_16 : vector<2048x128xf32>
    %dot_general3A_44 = arith.constant dense<0.000000e+00> : vector<2x2048xf32>
    %dot_general3A_45 = tpu.matmul %convert_element_type3A_43, %mul3A, %dot_general3A_44 {dimension_numbers = #tpu.dot_dimension_numbers<[1], [1], [0], [0], [0, 0, 1, 0], [], []>, precision = #tpu.contract_precision<fp32>, transpose_lhs_hint = false} : vector<2x128xf32>, vector<2048x128xf32>, vector<2x2048xf32> -> vector<2x2048xf32>
    %slice3A = vector.extract_strided_slice %reshape3A {offsets = [0, 0], sizes = [2048, 64], strides = [1, 1]} : vector<2048x128xf32> to vector<2048x64xf32>
    %slice3A_46 = vector.extract_strided_slice %reshape3A_7 {offsets = [0, 0], sizes = [2048, 64], strides = [1, 1]} : vector<2048x128xf32> to vector<2048x64xf32>
    %slice3A_47 = vector.extract_strided_slice %slice3A {offsets = [0, 0], sizes = [512, 64], strides = [1, 1]} : vector<2048x64xf32> to vector<512x64xf32>
    %dot_general3A_48 = arith.constant dense<0.000000e+00> : vector<2048x512xf32>
    %dot_general3A_49 = tpu.matmul %slice3A_46, %slice3A_47, %dot_general3A_48 {dimension_numbers = #tpu.dot_dimension_numbers<[1], [1], [0], [0], [0, 0, 1, 0], [], []>, transpose_lhs_hint = false} : vector<2048x64xf32>, vector<512x64xf32>, vector<2048x512xf32> -> vector<2048x512xf32>
    %get3A_50 = arith.constant 0 : index
    %get3A_51 = arith.constant 0 : index
    %get3A_52 = vector.load %arg6[%get3A_50, %get3A_51] : memref<2048x2048xbf16, #tpu.memory_space<vmem>>, vector<2048x512xbf16>
    %gt3A = arith.constant 0.000000e+00 : bf16
    %gt3A_53 = vector.broadcast %gt3A : bf16 to vector<2048x512xbf16>
    %gt3A_54 = arith.cmpf ogt, %get3A_52, %gt3A_53 : vector<2048x512xbf16>
    %jit3A_55 = arith.constant -1.000000e+30 : f32
    %broadcast_in_dim3A = vector.broadcast %jit3A_55 : f32 to vector<2048x512xf32>
    %select_n3A_56 = arith.select %gt3A_54, %dot_general3A_49, %broadcast_in_dim3A : vector<2048x512xi1>, vector<2048x512xf32>
    %reduce_max3A = arith.constant dense<0xFF800000> : vector<512xf32>
    %reduce_max3A_57 = vector.multi_reduction <maximumf>, %select_n3A_56, %reduce_max3A [0] : vector<2048x512xf32> to vector<512xf32>
    %broadcast_in_dim3A_58 = vector.shape_cast %reduce_max3A_57 : vector<512xf32> to vector<1x512xf32>
    %slice3A_59 = vector.extract_strided_slice %slice3A {offsets = [512, 0], sizes = [512, 64], strides = [1, 1]} : vector<2048x64xf32> to vector<512x64xf32>
    %dot_general3A_60 = arith.constant dense<0.000000e+00> : vector<2048x512xf32>
    %dot_general3A_61 = tpu.matmul %slice3A_46, %slice3A_59, %dot_general3A_60 {dimension_numbers = #tpu.dot_dimension_numbers<[1], [1], [0], [0], [0, 0, 1, 0], [], []>, transpose_lhs_hint = false} : vector<2048x64xf32>, vector<512x64xf32>, vector<2048x512xf32> -> vector<2048x512xf32>
    %get3A_62 = arith.constant 0 : index
    %get3A_63 = arith.constant 512 : index
    %get3A_64 = vector.load %arg6[%get3A_62, %get3A_63] : memref<2048x2048xbf16, #tpu.memory_space<vmem>>, vector<2048x512xbf16>
    %gt3A_65 = arith.constant 0.000000e+00 : bf16
    %gt3A_66 = vector.broadcast %gt3A_65 : bf16 to vector<2048x512xbf16>
    %gt3A_67 = arith.cmpf ogt, %get3A_64, %gt3A_66 : vector<2048x512xbf16>
    %jit3A_68 = arith.constant -1.000000e+30 : f32
    %broadcast_in_dim3A_69 = vector.broadcast %jit3A_68 : f32 to vector<2048x512xf32>
    %select_n3A_70 = arith.select %gt3A_67, %dot_general3A_61, %broadcast_in_dim3A_69 : vector<2048x512xi1>, vector<2048x512xf32>
    %reduce_max3A_71 = arith.constant dense<0xFF800000> : vector<512xf32>
    %reduce_max3A_72 = vector.multi_reduction <maximumf>, %select_n3A_70, %reduce_max3A_71 [0] : vector<2048x512xf32> to vector<512xf32>
    %broadcast_in_dim3A_73 = vector.shape_cast %reduce_max3A_72 : vector<512xf32> to vector<1x512xf32>
    %slice3A_74 = vector.extract_strided_slice %slice3A {offsets = [1024, 0], sizes = [512, 64], strides = [1, 1]} : vector<2048x64xf32> to vector<512x64xf32>
    %dot_general3A_75 = arith.constant dense<0.000000e+00> : vector<2048x512xf32>
    %dot_general3A_76 = tpu.matmul %slice3A_46, %slice3A_74, %dot_general3A_75 {dimension_numbers = #tpu.dot_dimension_numbers<[1], [1], [0], [0], [0, 0, 1, 0], [], []>, transpose_lhs_hint = false} : vector<2048x64xf32>, vector<512x64xf32>, vector<2048x512xf32> -> vector<2048x512xf32>
    %get3A_77 = arith.constant 0 : index
    %get3A_78 = arith.constant 1024 : index
    %get3A_79 = vector.load %arg6[%get3A_77, %get3A_78] : memref<2048x2048xbf16, #tpu.memory_space<vmem>>, vector<2048x512xbf16>
    %gt3A_80 = arith.constant 0.000000e+00 : bf16
    %gt3A_81 = vector.broadcast %gt3A_80 : bf16 to vector<2048x512xbf16>
    %gt3A_82 = arith.cmpf ogt, %get3A_79, %gt3A_81 : vector<2048x512xbf16>
    %jit3A_83 = arith.constant -1.000000e+30 : f32
    %broadcast_in_dim3A_84 = vector.broadcast %jit3A_83 : f32 to vector<2048x512xf32>
    %select_n3A_85 = arith.select %gt3A_82, %dot_general3A_76, %broadcast_in_dim3A_84 : vector<2048x512xi1>, vector<2048x512xf32>
    %reduce_max3A_86 = arith.constant dense<0xFF800000> : vector<512xf32>
    %reduce_max3A_87 = vector.multi_reduction <maximumf>, %select_n3A_85, %reduce_max3A_86 [0] : vector<2048x512xf32> to vector<512xf32>
    %broadcast_in_dim3A_88 = vector.shape_cast %reduce_max3A_87 : vector<512xf32> to vector<1x512xf32>
    %slice3A_89 = vector.extract_strided_slice %slice3A {offsets = [1536, 0], sizes = [512, 64], strides = [1, 1]} : vector<2048x64xf32> to vector<512x64xf32>
    %dot_general3A_90 = arith.constant dense<0.000000e+00> : vector<2048x512xf32>
    %dot_general3A_91 = tpu.matmul %slice3A_46, %slice3A_89, %dot_general3A_90 {dimension_numbers = #tpu.dot_dimension_numbers<[1], [1], [0], [0], [0, 0, 1, 0], [], []>, transpose_lhs_hint = false} : vector<2048x64xf32>, vector<512x64xf32>, vector<2048x512xf32> -> vector<2048x512xf32>
    %get3A_92 = arith.constant 0 : index
    %get3A_93 = arith.constant 1536 : index
    %get3A_94 = vector.load %arg6[%get3A_92, %get3A_93] : memref<2048x2048xbf16, #tpu.memory_space<vmem>>, vector<2048x512xbf16>
    %gt3A_95 = arith.constant 0.000000e+00 : bf16
    %gt3A_96 = vector.broadcast %gt3A_95 : bf16 to vector<2048x512xbf16>
    %gt3A_97 = arith.cmpf ogt, %get3A_94, %gt3A_96 : vector<2048x512xbf16>
    %jit3A_98 = arith.constant -1.000000e+30 : f32
    %broadcast_in_dim3A_99 = vector.broadcast %jit3A_98 : f32 to vector<2048x512xf32>
    %select_n3A_100 = arith.select %gt3A_97, %dot_general3A_91, %broadcast_in_dim3A_99 : vector<2048x512xi1>, vector<2048x512xf32>
    %reduce_max3A_101 = arith.constant dense<0xFF800000> : vector<512xf32>
    %reduce_max3A_102 = vector.multi_reduction <maximumf>, %select_n3A_100, %reduce_max3A_101 [0] : vector<2048x512xf32> to vector<512xf32>
    %broadcast_in_dim3A_103 = vector.shape_cast %reduce_max3A_102 : vector<512xf32> to vector<1x512xf32>
    %concatenate3A = tpu.concatenate %broadcast_in_dim3A_58, %broadcast_in_dim3A_73, %broadcast_in_dim3A_88, %broadcast_in_dim3A_103 in 1 : vector<1x512xf32>, vector<1x512xf32>, vector<1x512xf32>, vector<1x512xf32> -> vector<1x2048xf32>
    %slice3A_104 = vector.extract_strided_slice %reshape3A {offsets = [0, 64], sizes = [2048, 64], strides = [1, 1]} : vector<2048x128xf32> to vector<2048x64xf32>
    %slice3A_105 = vector.extract_strided_slice %reshape3A_7 {offsets = [0, 64], sizes = [2048, 64], strides = [1, 1]} : vector<2048x128xf32> to vector<2048x64xf32>
    %slice3A_106 = vector.extract_strided_slice %slice3A_104 {offsets = [0, 0], sizes = [512, 64], strides = [1, 1]} : vector<2048x64xf32> to vector<512x64xf32>
    %dot_general3A_107 = arith.constant dense<0.000000e+00> : vector<2048x512xf32>
    %dot_general3A_108 = tpu.matmul %slice3A_105, %slice3A_106, %dot_general3A_107 {dimension_numbers = #tpu.dot_dimension_numbers<[1], [1], [0], [0], [0, 0, 1, 0], [], []>, transpose_lhs_hint = false} : vector<2048x64xf32>, vector<512x64xf32>, vector<2048x512xf32> -> vector<2048x512xf32>
    %get3A_109 = arith.constant 0 : index
    %get3A_110 = arith.constant 0 : index
    %get3A_111 = vector.load %arg6[%get3A_109, %get3A_110] : memref<2048x2048xbf16, #tpu.memory_space<vmem>>, vector<2048x512xbf16>
    %gt3A_112 = arith.constant 0.000000e+00 : bf16
    %gt3A_113 = vector.broadcast %gt3A_112 : bf16 to vector<2048x512xbf16>
    %gt3A_114 = arith.cmpf ogt, %get3A_111, %gt3A_113 : vector<2048x512xbf16>
    %jit3A_115 = arith.constant -1.000000e+30 : f32
    %broadcast_in_dim3A_116 = vector.broadcast %jit3A_115 : f32 to vector<2048x512xf32>
    %select_n3A_117 = arith.select %gt3A_114, %dot_general3A_108, %broadcast_in_dim3A_116 : vector<2048x512xi1>, vector<2048x512xf32>
    %reduce_max3A_118 = arith.constant dense<0xFF800000> : vector<512xf32>
    %reduce_max3A_119 = vector.multi_reduction <maximumf>, %select_n3A_117, %reduce_max3A_118 [0] : vector<2048x512xf32> to vector<512xf32>
    %broadcast_in_dim3A_120 = vector.shape_cast %reduce_max3A_119 : vector<512xf32> to vector<1x512xf32>
    %slice3A_121 = vector.extract_strided_slice %slice3A_104 {offsets = [512, 0], sizes = [512, 64], strides = [1, 1]} : vector<2048x64xf32> to vector<512x64xf32>
    %dot_general3A_122 = arith.constant dense<0.000000e+00> : vector<2048x512xf32>
    %dot_general3A_123 = tpu.matmul %slice3A_105, %slice3A_121, %dot_general3A_122 {dimension_numbers = #tpu.dot_dimension_numbers<[1], [1], [0], [0], [0, 0, 1, 0], [], []>, transpose_lhs_hint = false} : vector<2048x64xf32>, vector<512x64xf32>, vector<2048x512xf32> -> vector<2048x512xf32>
    %get3A_124 = arith.constant 0 : index
    %get3A_125 = arith.constant 512 : index
    %get3A_126 = vector.load %arg6[%get3A_124, %get3A_125] : memref<2048x2048xbf16, #tpu.memory_space<vmem>>, vector<2048x512xbf16>
    %gt3A_127 = arith.constant 0.000000e+00 : bf16
    %gt3A_128 = vector.broadcast %gt3A_127 : bf16 to vector<2048x512xbf16>
    %gt3A_129 = arith.cmpf ogt, %get3A_126, %gt3A_128 : vector<2048x512xbf16>
    %jit3A_130 = arith.constant -1.000000e+30 : f32
    %broadcast_in_dim3A_131 = vector.broadcast %jit3A_130 : f32 to vector<2048x512xf32>
    %select_n3A_132 = arith.select %gt3A_129, %dot_general3A_123, %broadcast_in_dim3A_131 : vector<2048x512xi1>, vector<2048x512xf32>
    %reduce_max3A_133 = arith.constant dense<0xFF800000> : vector<512xf32>
    %reduce_max3A_134 = vector.multi_reduction <maximumf>, %select_n3A_132, %reduce_max3A_133 [0] : vector<2048x512xf32> to vector<512xf32>
    %broadcast_in_dim3A_135 = vector.shape_cast %reduce_max3A_134 : vector<512xf32> to vector<1x512xf32>
    %slice3A_136 = vector.extract_strided_slice %slice3A_104 {offsets = [1024, 0], sizes = [512, 64], strides = [1, 1]} : vector<2048x64xf32> to vector<512x64xf32>
    %dot_general3A_137 = arith.constant dense<0.000000e+00> : vector<2048x512xf32>
    %dot_general3A_138 = tpu.matmul %slice3A_105, %slice3A_136, %dot_general3A_137 {dimension_numbers = #tpu.dot_dimension_numbers<[1], [1], [0], [0], [0, 0, 1, 0], [], []>, transpose_lhs_hint = false} : vector<2048x64xf32>, vector<512x64xf32>, vector<2048x512xf32> -> vector<2048x512xf32>
    %get3A_139 = arith.constant 0 : index
    %get3A_140 = arith.constant 1024 : index
    %get3A_141 = vector.load %arg6[%get3A_139, %get3A_140] : memref<2048x2048xbf16, #tpu.memory_space<vmem>>, vector<2048x512xbf16>
    %gt3A_142 = arith.constant 0.000000e+00 : bf16
    %gt3A_143 = vector.broadcast %gt3A_142 : bf16 to vector<2048x512xbf16>
    %gt3A_144 = arith.cmpf ogt, %get3A_141, %gt3A_143 : vector<2048x512xbf16>
    %jit3A_145 = arith.constant -1.000000e+30 : f32
    %broadcast_in_dim3A_146 = vector.broadcast %jit3A_145 : f32 to vector<2048x512xf32>
    %select_n3A_147 = arith.select %gt3A_144, %dot_general3A_138, %broadcast_in_dim3A_146 : vector<2048x512xi1>, vector<2048x512xf32>
    %reduce_max3A_148 = arith.constant dense<0xFF800000> : vector<512xf32>
    %reduce_max3A_149 = vector.multi_reduction <maximumf>, %select_n3A_147, %reduce_max3A_148 [0] : vector<2048x512xf32> to vector<512xf32>
    %broadcast_in_dim3A_150 = vector.shape_cast %reduce_max3A_149 : vector<512xf32> to vector<1x512xf32>
    %slice3A_151 = vector.extract_strided_slice %slice3A_104 {offsets = [1536, 0], sizes = [512, 64], strides = [1, 1]} : vector<2048x64xf32> to vector<512x64xf32>
    %dot_general3A_152 = arith.constant dense<0.000000e+00> : vector<2048x512xf32>
    %dot_general3A_153 = tpu.matmul %slice3A_105, %slice3A_151, %dot_general3A_152 {dimension_numbers = #tpu.dot_dimension_numbers<[1], [1], [0], [0], [0, 0, 1, 0], [], []>, transpose_lhs_hint = false} : vector<2048x64xf32>, vector<512x64xf32>, vector<2048x512xf32> -> vector<2048x512xf32>
    %get3A_154 = arith.constant 0 : index
    %get3A_155 = arith.constant 1536 : index
    %get3A_156 = vector.load %arg6[%get3A_154, %get3A_155] : memref<2048x2048xbf16, #tpu.memory_space<vmem>>, vector<2048x512xbf16>
    %gt3A_157 = arith.constant 0.000000e+00 : bf16
    %gt3A_158 = vector.broadcast %gt3A_157 : bf16 to vector<2048x512xbf16>
    %gt3A_159 = arith.cmpf ogt, %get3A_156, %gt3A_158 : vector<2048x512xbf16>
    %jit3A_160 = arith.constant -1.000000e+30 : f32
    %broadcast_in_dim3A_161 = vector.broadcast %jit3A_160 : f32 to vector<2048x512xf32>
    %select_n3A_162 = arith.select %gt3A_159, %dot_general3A_153, %broadcast_in_dim3A_161 : vector<2048x512xi1>, vector<2048x512xf32>
    %reduce_max3A_163 = arith.constant dense<0xFF800000> : vector<512xf32>
    %reduce_max3A_164 = vector.multi_reduction <maximumf>, %select_n3A_162, %reduce_max3A_163 [0] : vector<2048x512xf32> to vector<512xf32>
    %broadcast_in_dim3A_165 = vector.shape_cast %reduce_max3A_164 : vector<512xf32> to vector<1x512xf32>
    %concatenate3A_166 = tpu.concatenate %broadcast_in_dim3A_120, %broadcast_in_dim3A_135, %broadcast_in_dim3A_150, %broadcast_in_dim3A_165 in 1 : vector<1x512xf32>, vector<1x512xf32>, vector<1x512xf32>, vector<1x512xf32> -> vector<1x2048xf32>
    %concatenate3A_167 = tpu.concatenate %concatenate3A, %concatenate3A_166 in 0 : vector<1x2048xf32>, vector<1x2048xf32> -> vector<2x2048xf32>
    %mul3A_168 = arith.constant 4.8828125E-4 : f32
    %mul3A_169 = vector.broadcast %mul3A_168 : f32 to vector<2x2048xf32>
    %mul3A_170 = arith.mulf %dot_general3A_45, %mul3A_169 : vector<2x2048xf32>
    %sub3A_171 = arith.subf %concatenate3A_167, %mul3A_170 : vector<2x2048xf32>
    %reduce_min3A = arith.constant dense<0x7F800000> : vector<2xf32>
    %reduce_min3A_172 = vector.multi_reduction <minimumf>, %sub3A_171, %reduce_min3A [1] : vector<2x2048xf32> to vector<2xf32>
    %broadcast_in_dim3A_173 = vector.shape_cast %reduce_min3A_172 : vector<2xf32> to vector<2x1xf32>
    %sub3A_174 = arith.constant 1.000000e+00 : f32
    %sub3A_175 = vector.broadcast %sub3A_174 : f32 to vector<2x1xf32>
    %sub3A_176 = arith.subf %broadcast_in_dim3A_173, %sub3A_175 : vector<2x1xf32>
    %reduce_max3A_177 = arith.constant dense<0xFF800000> : vector<2xf32>
    %reduce_max3A_178 = vector.multi_reduction <maximumf>, %sub3A_171, %reduce_max3A_177 [1] : vector<2x2048xf32> to vector<2xf32>
    %broadcast_in_dim3A_179 = vector.shape_cast %reduce_max3A_178 : vector<2xf32> to vector<2x1xf32>
    %add3A = arith.constant 1.000000e+00 : f32
    %add3A_180 = vector.broadcast %add3A : f32 to vector<2x1xf32>
    %add3A_181 = arith.addf %broadcast_in_dim3A_179, %add3A_180 : vector<2x1xf32>
    %add3A_182 = arith.addf %sub3A_176, %add3A_181 : vector<2x1xf32>
    %mul3A_183 = arith.constant 5.000000e-01 : f32
    %mul3A_184 = vector.broadcast %mul3A_183 : f32 to vector<2x1xf32>
    %mul3A_185 = arith.mulf %add3A_182, %mul3A_184 : vector<2x1xf32>
    %ge3A = vector.broadcast %mul3A_185 : vector<2x1xf32> to vector<2x2048xf32>
    %ge3A_186 = arith.cmpf oge, %sub3A_171, %ge3A : vector<2x2048xf32>
    %convert_element_type3A_187 = arith.extui %ge3A_186 : vector<2x2048xi1> to vector<2x2048xi32>
    %convert_element_type3A_188 = arith.sitofp %convert_element_type3A_187 : vector<2x2048xi32> to vector<2x2048xf32>
    %reduce_sum3A = arith.constant dense<0.000000e+00> : vector<2xf32>
    %reduce_sum3A_189 = vector.multi_reduction <add>, %convert_element_type3A_188, %reduce_sum3A [1] : vector<2x2048xf32> to vector<2xf32>
    %broadcast_in_dim3A_190 = vector.shape_cast %reduce_sum3A_189 : vector<2xf32> to vector<2x1xf32>
    %ge3A_191 = arith.constant 4.000000e+01 : f32
    %ge3A_192 = vector.broadcast %ge3A_191 : f32 to vector<2x1xf32>
    %ge3A_193 = arith.cmpf oge, %broadcast_in_dim3A_190, %ge3A_192 : vector<2x1xf32>
    %select_n3A_194 = arith.select %ge3A_193, %mul3A_185, %sub3A_176 : vector<2x1xi1>, vector<2x1xf32>
    %select_n3A_195 = arith.select %ge3A_193, %add3A_181, %mul3A_185 : vector<2x1xi1>, vector<2x1xf32>
    %add3A_196 = arith.addf %select_n3A_194, %select_n3A_195 : vector<2x1xf32>
    %mul3A_197 = arith.constant 5.000000e-01 : f32
    %mul3A_198 = vector.broadcast %mul3A_197 : f32 to vector<2x1xf32>
    %mul3A_199 = arith.mulf %add3A_196, %mul3A_198 : vector<2x1xf32>
    %ge3A_200 = vector.broadcast %mul3A_199 : vector<2x1xf32> to vector<2x2048xf32>
    %ge3A_201 = arith.cmpf oge, %sub3A_171, %ge3A_200 : vector<2x2048xf32>
    %convert_element_type3A_202 = arith.extui %ge3A_201 : vector<2x2048xi1> to vector<2x2048xi32>
    %convert_element_type3A_203 = arith.sitofp %convert_element_type3A_202 : vector<2x2048xi32> to vector<2x2048xf32>
    %reduce_sum3A_204 = arith.constant dense<0.000000e+00> : vector<2xf32>
    %reduce_sum3A_205 = vector.multi_reduction <add>, %convert_element_type3A_203, %reduce_sum3A_204 [1] : vector<2x2048xf32> to vector<2xf32>
    %broadcast_in_dim3A_206 = vector.shape_cast %reduce_sum3A_205 : vector<2xf32> to vector<2x1xf32>
    %ge3A_207 = arith.constant 4.000000e+01 : f32
    %ge3A_208 = vector.broadcast %ge3A_207 : f32 to vector<2x1xf32>
    %ge3A_209 = arith.cmpf oge, %broadcast_in_dim3A_206, %ge3A_208 : vector<2x1xf32>
    %select_n3A_210 = arith.select %ge3A_209, %mul3A_199, %select_n3A_194 : vector<2x1xi1>, vector<2x1xf32>
    %select_n3A_211 = arith.select %ge3A_209, %select_n3A_195, %mul3A_199 : vector<2x1xi1>, vector<2x1xf32>
    %add3A_212 = arith.addf %select_n3A_210, %select_n3A_211 : vector<2x1xf32>
    %mul3A_213 = arith.constant 5.000000e-01 : f32
    %mul3A_214 = vector.broadcast %mul3A_213 : f32 to vector<2x1xf32>
    %mul3A_215 = arith.mulf %add3A_212, %mul3A_214 : vector<2x1xf32>
    %ge3A_216 = vector.broadcast %mul3A_215 : vector<2x1xf32> to vector<2x2048xf32>
    %ge3A_217 = arith.cmpf oge, %sub3A_171, %ge3A_216 : vector<2x2048xf32>
    %convert_element_type3A_218 = arith.extui %ge3A_217 : vector<2x2048xi1> to vector<2x2048xi32>
    %convert_element_type3A_219 = arith.sitofp %convert_element_type3A_218 : vector<2x2048xi32> to vector<2x2048xf32>
    %reduce_sum3A_220 = arith.constant dense<0.000000e+00> : vector<2xf32>
    %reduce_sum3A_221 = vector.multi_reduction <add>, %convert_element_type3A_219, %reduce_sum3A_220 [1] : vector<2x2048xf32> to vector<2xf32>
    %broadcast_in_dim3A_222 = vector.shape_cast %reduce_sum3A_221 : vector<2xf32> to vector<2x1xf32>
    %ge3A_223 = arith.constant 4.000000e+01 : f32
    %ge3A_224 = vector.broadcast %ge3A_223 : f32 to vector<2x1xf32>
    %ge3A_225 = arith.cmpf oge, %broadcast_in_dim3A_222, %ge3A_224 : vector<2x1xf32>
    %select_n3A_226 = arith.select %ge3A_225, %mul3A_215, %select_n3A_210 : vector<2x1xi1>, vector<2x1xf32>
    %select_n3A_227 = arith.select %ge3A_225, %select_n3A_211, %mul3A_215 : vector<2x1xi1>, vector<2x1xf32>
    %add3A_228 = arith.addf %select_n3A_226, %select_n3A_227 : vector<2x1xf32>
    %mul3A_229 = arith.constant 5.000000e-01 : f32
    %mul3A_230 = vector.broadcast %mul3A_229 : f32 to vector<2x1xf32>
    %mul3A_231 = arith.mulf %add3A_228, %mul3A_230 : vector<2x1xf32>
    %ge3A_232 = vector.broadcast %mul3A_231 : vector<2x1xf32> to vector<2x2048xf32>
    %ge3A_233 = arith.cmpf oge, %sub3A_171, %ge3A_232 : vector<2x2048xf32>
    %convert_element_type3A_234 = arith.extui %ge3A_233 : vector<2x2048xi1> to vector<2x2048xi32>
    %convert_element_type3A_235 = arith.sitofp %convert_element_type3A_234 : vector<2x2048xi32> to vector<2x2048xf32>
    %reduce_sum3A_236 = arith.constant dense<0.000000e+00> : vector<2xf32>
    %reduce_sum3A_237 = vector.multi_reduction <add>, %convert_element_type3A_235, %reduce_sum3A_236 [1] : vector<2x2048xf32> to vector<2xf32>
    %broadcast_in_dim3A_238 = vector.shape_cast %reduce_sum3A_237 : vector<2xf32> to vector<2x1xf32>
    %ge3A_239 = arith.constant 4.000000e+01 : f32
    %ge3A_240 = vector.broadcast %ge3A_239 : f32 to vector<2x1xf32>
    %ge3A_241 = arith.cmpf oge, %broadcast_in_dim3A_238, %ge3A_240 : vector<2x1xf32>
    %select_n3A_242 = arith.select %ge3A_241, %mul3A_231, %select_n3A_226 : vector<2x1xi1>, vector<2x1xf32>
    %select_n3A_243 = arith.select %ge3A_241, %select_n3A_227, %mul3A_231 : vector<2x1xi1>, vector<2x1xf32>
    %add3A_244 = arith.addf %select_n3A_242, %select_n3A_243 : vector<2x1xf32>
    %mul3A_245 = arith.constant 5.000000e-01 : f32
    %mul3A_246 = vector.broadcast %mul3A_245 : f32 to vector<2x1xf32>
    %mul3A_247 = arith.mulf %add3A_244, %mul3A_246 : vector<2x1xf32>
    %ge3A_248 = vector.broadcast %mul3A_247 : vector<2x1xf32> to vector<2x2048xf32>
    %ge3A_249 = arith.cmpf oge, %sub3A_171, %ge3A_248 : vector<2x2048xf32>
    %convert_element_type3A_250 = arith.extui %ge3A_249 : vector<2x2048xi1> to vector<2x2048xi32>
    %convert_element_type3A_251 = arith.sitofp %convert_element_type3A_250 : vector<2x2048xi32> to vector<2x2048xf32>
    %reduce_sum3A_252 = arith.constant dense<0.000000e+00> : vector<2xf32>
    %reduce_sum3A_253 = vector.multi_reduction <add>, %convert_element_type3A_251, %reduce_sum3A_252 [1] : vector<2x2048xf32> to vector<2xf32>
    %broadcast_in_dim3A_254 = vector.shape_cast %reduce_sum3A_253 : vector<2xf32> to vector<2x1xf32>
    %ge3A_255 = arith.constant 4.000000e+01 : f32
    %ge3A_256 = vector.broadcast %ge3A_255 : f32 to vector<2x1xf32>
    %ge3A_257 = arith.cmpf oge, %broadcast_in_dim3A_254, %ge3A_256 : vector<2x1xf32>
    %select_n3A_258 = arith.select %ge3A_257, %mul3A_247, %select_n3A_242 : vector<2x1xi1>, vector<2x1xf32>
    %select_n3A_259 = arith.select %ge3A_257, %select_n3A_243, %mul3A_247 : vector<2x1xi1>, vector<2x1xf32>
    %add3A_260 = arith.addf %select_n3A_258, %select_n3A_259 : vector<2x1xf32>
    %mul3A_261 = arith.constant 5.000000e-01 : f32
    %mul3A_262 = vector.broadcast %mul3A_261 : f32 to vector<2x1xf32>
    %mul3A_263 = arith.mulf %add3A_260, %mul3A_262 : vector<2x1xf32>
    %ge3A_264 = vector.broadcast %mul3A_263 : vector<2x1xf32> to vector<2x2048xf32>
    %ge3A_265 = arith.cmpf oge, %sub3A_171, %ge3A_264 : vector<2x2048xf32>
    %convert_element_type3A_266 = arith.extui %ge3A_265 : vector<2x2048xi1> to vector<2x2048xi32>
    %convert_element_type3A_267 = arith.sitofp %convert_element_type3A_266 : vector<2x2048xi32> to vector<2x2048xf32>
    %reduce_sum3A_268 = arith.constant dense<0.000000e+00> : vector<2xf32>
    %reduce_sum3A_269 = vector.multi_reduction <add>, %convert_element_type3A_267, %reduce_sum3A_268 [1] : vector<2x2048xf32> to vector<2xf32>
    %broadcast_in_dim3A_270 = vector.shape_cast %reduce_sum3A_269 : vector<2xf32> to vector<2x1xf32>
    %ge3A_271 = arith.constant 4.000000e+01 : f32
    %ge3A_272 = vector.broadcast %ge3A_271 : f32 to vector<2x1xf32>
    %ge3A_273 = arith.cmpf oge, %broadcast_in_dim3A_270, %ge3A_272 : vector<2x1xf32>
    %select_n3A_274 = arith.select %ge3A_273, %mul3A_263, %select_n3A_258 : vector<2x1xi1>, vector<2x1xf32>
    %select_n3A_275 = arith.select %ge3A_273, %select_n3A_259, %mul3A_263 : vector<2x1xi1>, vector<2x1xf32>
    %add3A_276 = arith.addf %select_n3A_274, %select_n3A_275 : vector<2x1xf32>
    %mul3A_277 = arith.constant 5.000000e-01 : f32
    %mul3A_278 = vector.broadcast %mul3A_277 : f32 to vector<2x1xf32>
    %mul3A_279 = arith.mulf %add3A_276, %mul3A_278 : vector<2x1xf32>
    %ge3A_280 = vector.broadcast %mul3A_279 : vector<2x1xf32> to vector<2x2048xf32>
    %ge3A_281 = arith.cmpf oge, %sub3A_171, %ge3A_280 : vector<2x2048xf32>
    %convert_element_type3A_282 = arith.extui %ge3A_281 : vector<2x2048xi1> to vector<2x2048xi32>
    %convert_element_type3A_283 = arith.sitofp %convert_element_type3A_282 : vector<2x2048xi32> to vector<2x2048xf32>
    %reduce_sum3A_284 = arith.constant dense<0.000000e+00> : vector<2xf32>
    %reduce_sum3A_285 = vector.multi_reduction <add>, %convert_element_type3A_283, %reduce_sum3A_284 [1] : vector<2x2048xf32> to vector<2xf32>
    %broadcast_in_dim3A_286 = vector.shape_cast %reduce_sum3A_285 : vector<2xf32> to vector<2x1xf32>
    %ge3A_287 = arith.constant 4.000000e+01 : f32
    %ge3A_288 = vector.broadcast %ge3A_287 : f32 to vector<2x1xf32>
    %ge3A_289 = arith.cmpf oge, %broadcast_in_dim3A_286, %ge3A_288 : vector<2x1xf32>
    %select_n3A_290 = arith.select %ge3A_289, %mul3A_279, %select_n3A_274 : vector<2x1xi1>, vector<2x1xf32>
    %select_n3A_291 = arith.select %ge3A_289, %select_n3A_275, %mul3A_279 : vector<2x1xi1>, vector<2x1xf32>
    %add3A_292 = arith.addf %select_n3A_290, %select_n3A_291 : vector<2x1xf32>
    %mul3A_293 = arith.constant 5.000000e-01 : f32
    %mul3A_294 = vector.broadcast %mul3A_293 : f32 to vector<2x1xf32>
    %mul3A_295 = arith.mulf %add3A_292, %mul3A_294 : vector<2x1xf32>
    %ge3A_296 = vector.broadcast %mul3A_295 : vector<2x1xf32> to vector<2x2048xf32>
    %ge3A_297 = arith.cmpf oge, %sub3A_171, %ge3A_296 : vector<2x2048xf32>
    %convert_element_type3A_298 = arith.extui %ge3A_297 : vector<2x2048xi1> to vector<2x2048xi32>
    %convert_element_type3A_299 = arith.sitofp %convert_element_type3A_298 : vector<2x2048xi32> to vector<2x2048xf32>
    %reduce_sum3A_300 = arith.constant dense<0.000000e+00> : vector<2xf32>
    %reduce_sum3A_301 = vector.multi_reduction <add>, %convert_element_type3A_299, %reduce_sum3A_300 [1] : vector<2x2048xf32> to vector<2xf32>
    %broadcast_in_dim3A_302 = vector.shape_cast %reduce_sum3A_301 : vector<2xf32> to vector<2x1xf32>
    %ge3A_303 = arith.constant 4.000000e+01 : f32
    %ge3A_304 = vector.broadcast %ge3A_303 : f32 to vector<2x1xf32>
    %ge3A_305 = arith.cmpf oge, %broadcast_in_dim3A_302, %ge3A_304 : vector<2x1xf32>
    %select_n3A_306 = arith.select %ge3A_305, %mul3A_295, %select_n3A_290 : vector<2x1xi1>, vector<2x1xf32>
    %select_n3A_307 = arith.select %ge3A_305, %select_n3A_291, %mul3A_295 : vector<2x1xi1>, vector<2x1xf32>
    %add3A_308 = arith.addf %select_n3A_306, %select_n3A_307 : vector<2x1xf32>
    %mul3A_309 = arith.constant 5.000000e-01 : f32
    %mul3A_310 = vector.broadcast %mul3A_309 : f32 to vector<2x1xf32>
    %mul3A_311 = arith.mulf %add3A_308, %mul3A_310 : vector<2x1xf32>
    %ge3A_312 = vector.broadcast %mul3A_311 : vector<2x1xf32> to vector<2x2048xf32>
    %ge3A_313 = arith.cmpf oge, %sub3A_171, %ge3A_312 : vector<2x2048xf32>
    %convert_element_type3A_314 = arith.extui %ge3A_313 : vector<2x2048xi1> to vector<2x2048xi32>
    %convert_element_type3A_315 = arith.sitofp %convert_element_type3A_314 : vector<2x2048xi32> to vector<2x2048xf32>
    %reduce_sum3A_316 = arith.constant dense<0.000000e+00> : vector<2xf32>
    %reduce_sum3A_317 = vector.multi_reduction <add>, %convert_element_type3A_315, %reduce_sum3A_316 [1] : vector<2x2048xf32> to vector<2xf32>
    %broadcast_in_dim3A_318 = vector.shape_cast %reduce_sum3A_317 : vector<2xf32> to vector<2x1xf32>
    %ge3A_319 = arith.constant 4.000000e+01 : f32
    %ge3A_320 = vector.broadcast %ge3A_319 : f32 to vector<2x1xf32>
    %ge3A_321 = arith.cmpf oge, %broadcast_in_dim3A_318, %ge3A_320 : vector<2x1xf32>
    %select_n3A_322 = arith.select %ge3A_321, %mul3A_311, %select_n3A_306 : vector<2x1xi1>, vector<2x1xf32>
    %select_n3A_323 = arith.select %ge3A_321, %select_n3A_307, %mul3A_311 : vector<2x1xi1>, vector<2x1xf32>
    %add3A_324 = arith.addf %select_n3A_322, %select_n3A_323 : vector<2x1xf32>
    %mul3A_325 = arith.constant 5.000000e-01 : f32
    %mul3A_326 = vector.broadcast %mul3A_325 : f32 to vector<2x1xf32>
    %mul3A_327 = arith.mulf %add3A_324, %mul3A_326 : vector<2x1xf32>
    %ge3A_328 = vector.broadcast %mul3A_327 : vector<2x1xf32> to vector<2x2048xf32>
    %ge3A_329 = arith.cmpf oge, %sub3A_171, %ge3A_328 : vector<2x2048xf32>
    %convert_element_type3A_330 = arith.extui %ge3A_329 : vector<2x2048xi1> to vector<2x2048xi32>
    %convert_element_type3A_331 = arith.sitofp %convert_element_type3A_330 : vector<2x2048xi32> to vector<2x2048xf32>
    %reduce_sum3A_332 = arith.constant dense<0.000000e+00> : vector<2xf32>
    %reduce_sum3A_333 = vector.multi_reduction <add>, %convert_element_type3A_331, %reduce_sum3A_332 [1] : vector<2x2048xf32> to vector<2xf32>
    %broadcast_in_dim3A_334 = vector.shape_cast %reduce_sum3A_333 : vector<2xf32> to vector<2x1xf32>
    %ge3A_335 = arith.constant 4.000000e+01 : f32
    %ge3A_336 = vector.broadcast %ge3A_335 : f32 to vector<2x1xf32>
    %ge3A_337 = arith.cmpf oge, %broadcast_in_dim3A_334, %ge3A_336 : vector<2x1xf32>
    %select_n3A_338 = arith.select %ge3A_337, %mul3A_327, %select_n3A_322 : vector<2x1xi1>, vector<2x1xf32>
    %select_n3A_339 = arith.select %ge3A_337, %select_n3A_323, %mul3A_327 : vector<2x1xi1>, vector<2x1xf32>
    %add3A_340 = arith.addf %select_n3A_338, %select_n3A_339 : vector<2x1xf32>
    %mul3A_341 = arith.constant 5.000000e-01 : f32
    %mul3A_342 = vector.broadcast %mul3A_341 : f32 to vector<2x1xf32>
    %mul3A_343 = arith.mulf %add3A_340, %mul3A_342 : vector<2x1xf32>
    %ge3A_344 = vector.broadcast %mul3A_343 : vector<2x1xf32> to vector<2x2048xf32>
    %ge3A_345 = arith.cmpf oge, %sub3A_171, %ge3A_344 : vector<2x2048xf32>
    %convert_element_type3A_346 = arith.extui %ge3A_345 : vector<2x2048xi1> to vector<2x2048xi32>
    %convert_element_type3A_347 = arith.sitofp %convert_element_type3A_346 : vector<2x2048xi32> to vector<2x2048xf32>
    %reduce_sum3A_348 = arith.constant dense<0.000000e+00> : vector<2xf32>
    %reduce_sum3A_349 = vector.multi_reduction <add>, %convert_element_type3A_347, %reduce_sum3A_348 [1] : vector<2x2048xf32> to vector<2xf32>
    %broadcast_in_dim3A_350 = vector.shape_cast %reduce_sum3A_349 : vector<2xf32> to vector<2x1xf32>
    %ge3A_351 = arith.constant 4.000000e+01 : f32
    %ge3A_352 = vector.broadcast %ge3A_351 : f32 to vector<2x1xf32>
    %ge3A_353 = arith.cmpf oge, %broadcast_in_dim3A_350, %ge3A_352 : vector<2x1xf32>
    %select_n3A_354 = arith.select %ge3A_353, %mul3A_343, %select_n3A_338 : vector<2x1xi1>, vector<2x1xf32>
    %select_n3A_355 = arith.select %ge3A_353, %select_n3A_339, %mul3A_343 : vector<2x1xi1>, vector<2x1xf32>
    %add3A_356 = arith.addf %select_n3A_354, %select_n3A_355 : vector<2x1xf32>
    %mul3A_357 = arith.constant 5.000000e-01 : f32
    %mul3A_358 = vector.broadcast %mul3A_357 : f32 to vector<2x1xf32>
    %mul3A_359 = arith.mulf %add3A_356, %mul3A_358 : vector<2x1xf32>
    %ge3A_360 = vector.broadcast %mul3A_359 : vector<2x1xf32> to vector<2x2048xf32>
    %ge3A_361 = arith.cmpf oge, %sub3A_171, %ge3A_360 : vector<2x2048xf32>
    %convert_element_type3A_362 = arith.extui %ge3A_361 : vector<2x2048xi1> to vector<2x2048xi32>
    %convert_element_type3A_363 = arith.sitofp %convert_element_type3A_362 : vector<2x2048xi32> to vector<2x2048xf32>
    %reduce_sum3A_364 = arith.constant dense<0.000000e+00> : vector<2xf32>
    %reduce_sum3A_365 = vector.multi_reduction <add>, %convert_element_type3A_363, %reduce_sum3A_364 [1] : vector<2x2048xf32> to vector<2xf32>
    %broadcast_in_dim3A_366 = vector.shape_cast %reduce_sum3A_365 : vector<2xf32> to vector<2x1xf32>
    %ge3A_367 = arith.constant 4.000000e+01 : f32
    %ge3A_368 = vector.broadcast %ge3A_367 : f32 to vector<2x1xf32>
    %ge3A_369 = arith.cmpf oge, %broadcast_in_dim3A_366, %ge3A_368 : vector<2x1xf32>
    %select_n3A_370 = arith.select %ge3A_369, %mul3A_359, %select_n3A_354 : vector<2x1xi1>, vector<2x1xf32>
    %select_n3A_371 = arith.select %ge3A_369, %select_n3A_355, %mul3A_359 : vector<2x1xi1>, vector<2x1xf32>
    %add3A_372 = arith.addf %select_n3A_370, %select_n3A_371 : vector<2x1xf32>
    %mul3A_373 = arith.constant 5.000000e-01 : f32
    %mul3A_374 = vector.broadcast %mul3A_373 : f32 to vector<2x1xf32>
    %mul3A_375 = arith.mulf %add3A_372, %mul3A_374 : vector<2x1xf32>
    %ge3A_376 = vector.broadcast %mul3A_375 : vector<2x1xf32> to vector<2x2048xf32>
    %ge3A_377 = arith.cmpf oge, %sub3A_171, %ge3A_376 : vector<2x2048xf32>
    %convert_element_type3A_378 = arith.extui %ge3A_377 : vector<2x2048xi1> to vector<2x2048xi32>
    %convert_element_type3A_379 = arith.sitofp %convert_element_type3A_378 : vector<2x2048xi32> to vector<2x2048xf32>
    %reduce_sum3A_380 = arith.constant dense<0.000000e+00> : vector<2xf32>
    %reduce_sum3A_381 = vector.multi_reduction <add>, %convert_element_type3A_379, %reduce_sum3A_380 [1] : vector<2x2048xf32> to vector<2xf32>
    %broadcast_in_dim3A_382 = vector.shape_cast %reduce_sum3A_381 : vector<2xf32> to vector<2x1xf32>
    %ge3A_383 = arith.constant 4.000000e+01 : f32
    %ge3A_384 = vector.broadcast %ge3A_383 : f32 to vector<2x1xf32>
    %ge3A_385 = arith.cmpf oge, %broadcast_in_dim3A_382, %ge3A_384 : vector<2x1xf32>
    %select_n3A_386 = arith.select %ge3A_385, %mul3A_375, %select_n3A_370 : vector<2x1xi1>, vector<2x1xf32>
    %select_n3A_387 = arith.select %ge3A_385, %select_n3A_371, %mul3A_375 : vector<2x1xi1>, vector<2x1xf32>
    %add3A_388 = arith.addf %select_n3A_386, %select_n3A_387 : vector<2x1xf32>
    %mul3A_389 = arith.constant 5.000000e-01 : f32
    %mul3A_390 = vector.broadcast %mul3A_389 : f32 to vector<2x1xf32>
    %mul3A_391 = arith.mulf %add3A_388, %mul3A_390 : vector<2x1xf32>
    %ge3A_392 = vector.broadcast %mul3A_391 : vector<2x1xf32> to vector<2x2048xf32>
    %ge3A_393 = arith.cmpf oge, %sub3A_171, %ge3A_392 : vector<2x2048xf32>
    %convert_element_type3A_394 = arith.extui %ge3A_393 : vector<2x2048xi1> to vector<2x2048xi32>
    %convert_element_type3A_395 = arith.sitofp %convert_element_type3A_394 : vector<2x2048xi32> to vector<2x2048xf32>
    %reduce_sum3A_396 = arith.constant dense<0.000000e+00> : vector<2xf32>
    %reduce_sum3A_397 = vector.multi_reduction <add>, %convert_element_type3A_395, %reduce_sum3A_396 [1] : vector<2x2048xf32> to vector<2xf32>
    %broadcast_in_dim3A_398 = vector.shape_cast %reduce_sum3A_397 : vector<2xf32> to vector<2x1xf32>
    %ge3A_399 = arith.constant 4.000000e+01 : f32
    %ge3A_400 = vector.broadcast %ge3A_399 : f32 to vector<2x1xf32>
    %ge3A_401 = arith.cmpf oge, %broadcast_in_dim3A_398, %ge3A_400 : vector<2x1xf32>
    %select_n3A_402 = arith.select %ge3A_401, %mul3A_391, %select_n3A_386 : vector<2x1xi1>, vector<2x1xf32>
    %select_n3A_403 = arith.select %ge3A_401, %select_n3A_387, %mul3A_391 : vector<2x1xi1>, vector<2x1xf32>
    %add3A_404 = arith.addf %select_n3A_402, %select_n3A_403 : vector<2x1xf32>
    %mul3A_405 = arith.constant 5.000000e-01 : f32
    %mul3A_406 = vector.broadcast %mul3A_405 : f32 to vector<2x1xf32>
    %mul3A_407 = arith.mulf %add3A_404, %mul3A_406 : vector<2x1xf32>
    %ge3A_408 = vector.broadcast %mul3A_407 : vector<2x1xf32> to vector<2x2048xf32>
    %ge3A_409 = arith.cmpf oge, %sub3A_171, %ge3A_408 : vector<2x2048xf32>
    %convert_element_type3A_410 = arith.extui %ge3A_409 : vector<2x2048xi1> to vector<2x2048xi32>
    %convert_element_type3A_411 = arith.sitofp %convert_element_type3A_410 : vector<2x2048xi32> to vector<2x2048xf32>
    %reduce_sum3A_412 = arith.constant dense<0.000000e+00> : vector<2xf32>
    %reduce_sum3A_413 = vector.multi_reduction <add>, %convert_element_type3A_411, %reduce_sum3A_412 [1] : vector<2x2048xf32> to vector<2xf32>
    %broadcast_in_dim3A_414 = vector.shape_cast %reduce_sum3A_413 : vector<2xf32> to vector<2x1xf32>
    %ge3A_415 = arith.constant 4.000000e+01 : f32
    %ge3A_416 = vector.broadcast %ge3A_415 : f32 to vector<2x1xf32>
    %ge3A_417 = arith.cmpf oge, %broadcast_in_dim3A_414, %ge3A_416 : vector<2x1xf32>
    %select_n3A_418 = arith.select %ge3A_417, %mul3A_407, %select_n3A_402 : vector<2x1xi1>, vector<2x1xf32>
    %select_n3A_419 = arith.select %ge3A_417, %select_n3A_403, %mul3A_407 : vector<2x1xi1>, vector<2x1xf32>
    %add3A_420 = arith.addf %select_n3A_418, %select_n3A_419 : vector<2x1xf32>
    %mul3A_421 = arith.constant 5.000000e-01 : f32
    %mul3A_422 = vector.broadcast %mul3A_421 : f32 to vector<2x1xf32>
    %mul3A_423 = arith.mulf %add3A_420, %mul3A_422 : vector<2x1xf32>
    %ge3A_424 = vector.broadcast %mul3A_423 : vector<2x1xf32> to vector<2x2048xf32>
    %ge3A_425 = arith.cmpf oge, %sub3A_171, %ge3A_424 : vector<2x2048xf32>
    %convert_element_type3A_426 = arith.extui %ge3A_425 : vector<2x2048xi1> to vector<2x2048xi32>
    %convert_element_type3A_427 = arith.sitofp %convert_element_type3A_426 : vector<2x2048xi32> to vector<2x2048xf32>
    %reduce_sum3A_428 = arith.constant dense<0.000000e+00> : vector<2xf32>
    %reduce_sum3A_429 = vector.multi_reduction <add>, %convert_element_type3A_427, %reduce_sum3A_428 [1] : vector<2x2048xf32> to vector<2xf32>
    %broadcast_in_dim3A_430 = vector.shape_cast %reduce_sum3A_429 : vector<2xf32> to vector<2x1xf32>
    %ge3A_431 = arith.constant 4.000000e+01 : f32
    %ge3A_432 = vector.broadcast %ge3A_431 : f32 to vector<2x1xf32>
    %ge3A_433 = arith.cmpf oge, %broadcast_in_dim3A_430, %ge3A_432 : vector<2x1xf32>
    %select_n3A_434 = arith.select %ge3A_433, %mul3A_423, %select_n3A_418 : vector<2x1xi1>, vector<2x1xf32>
    %select_n3A_435 = arith.select %ge3A_433, %select_n3A_419, %mul3A_423 : vector<2x1xi1>, vector<2x1xf32>
    %add3A_436 = arith.addf %select_n3A_434, %select_n3A_435 : vector<2x1xf32>
    %mul3A_437 = arith.constant 5.000000e-01 : f32
    %mul3A_438 = vector.broadcast %mul3A_437 : f32 to vector<2x1xf32>
    %mul3A_439 = arith.mulf %add3A_436, %mul3A_438 : vector<2x1xf32>
    %ge3A_440 = vector.broadcast %mul3A_439 : vector<2x1xf32> to vector<2x2048xf32>
    %ge3A_441 = arith.cmpf oge, %sub3A_171, %ge3A_440 : vector<2x2048xf32>
    %convert_element_type3A_442 = arith.extui %ge3A_441 : vector<2x2048xi1> to vector<2x2048xi32>
    %convert_element_type3A_443 = arith.sitofp %convert_element_type3A_442 : vector<2x2048xi32> to vector<2x2048xf32>
    %reduce_sum3A_444 = arith.constant dense<0.000000e+00> : vector<2xf32>
    %reduce_sum3A_445 = vector.multi_reduction <add>, %convert_element_type3A_443, %reduce_sum3A_444 [1] : vector<2x2048xf32> to vector<2xf32>
    %broadcast_in_dim3A_446 = vector.shape_cast %reduce_sum3A_445 : vector<2xf32> to vector<2x1xf32>
    %ge3A_447 = arith.constant 4.000000e+01 : f32
    %ge3A_448 = vector.broadcast %ge3A_447 : f32 to vector<2x1xf32>
    %ge3A_449 = arith.cmpf oge, %broadcast_in_dim3A_446, %ge3A_448 : vector<2x1xf32>
    %select_n3A_450 = arith.select %ge3A_449, %mul3A_439, %select_n3A_434 : vector<2x1xi1>, vector<2x1xf32>
    %select_n3A_451 = arith.select %ge3A_449, %select_n3A_435, %mul3A_439 : vector<2x1xi1>, vector<2x1xf32>
    %add3A_452 = arith.addf %select_n3A_450, %select_n3A_451 : vector<2x1xf32>
    %mul3A_453 = arith.constant 5.000000e-01 : f32
    %mul3A_454 = vector.broadcast %mul3A_453 : f32 to vector<2x1xf32>
    %mul3A_455 = arith.mulf %add3A_452, %mul3A_454 : vector<2x1xf32>
    %ge3A_456 = vector.broadcast %mul3A_455 : vector<2x1xf32> to vector<2x2048xf32>
    %ge3A_457 = arith.cmpf oge, %sub3A_171, %ge3A_456 : vector<2x2048xf32>
    %convert_element_type3A_458 = arith.extui %ge3A_457 : vector<2x2048xi1> to vector<2x2048xi32>
    %convert_element_type3A_459 = arith.sitofp %convert_element_type3A_458 : vector<2x2048xi32> to vector<2x2048xf32>
    %reduce_sum3A_460 = arith.constant dense<0.000000e+00> : vector<2xf32>
    %reduce_sum3A_461 = vector.multi_reduction <add>, %convert_element_type3A_459, %reduce_sum3A_460 [1] : vector<2x2048xf32> to vector<2xf32>
    %broadcast_in_dim3A_462 = vector.shape_cast %reduce_sum3A_461 : vector<2xf32> to vector<2x1xf32>
    %ge3A_463 = arith.constant 4.000000e+01 : f32
    %ge3A_464 = vector.broadcast %ge3A_463 : f32 to vector<2x1xf32>
    %ge3A_465 = arith.cmpf oge, %broadcast_in_dim3A_462, %ge3A_464 : vector<2x1xf32>
    %select_n3A_466 = arith.select %ge3A_465, %mul3A_455, %select_n3A_450 : vector<2x1xi1>, vector<2x1xf32>
    %select_n3A_467 = arith.select %ge3A_465, %select_n3A_451, %mul3A_455 : vector<2x1xi1>, vector<2x1xf32>
    %add3A_468 = arith.addf %select_n3A_466, %select_n3A_467 : vector<2x1xf32>
    %mul3A_469 = arith.constant 5.000000e-01 : f32
    %mul3A_470 = vector.broadcast %mul3A_469 : f32 to vector<2x1xf32>
    %mul3A_471 = arith.mulf %add3A_468, %mul3A_470 : vector<2x1xf32>
    %ge3A_472 = vector.broadcast %mul3A_471 : vector<2x1xf32> to vector<2x2048xf32>
    %ge3A_473 = arith.cmpf oge, %sub3A_171, %ge3A_472 : vector<2x2048xf32>
    %convert_element_type3A_474 = arith.extui %ge3A_473 : vector<2x2048xi1> to vector<2x2048xi32>
    %convert_element_type3A_475 = arith.sitofp %convert_element_type3A_474 : vector<2x2048xi32> to vector<2x2048xf32>
    %reduce_sum3A_476 = arith.constant dense<0.000000e+00> : vector<2xf32>
    %reduce_sum3A_477 = vector.multi_reduction <add>, %convert_element_type3A_475, %reduce_sum3A_476 [1] : vector<2x2048xf32> to vector<2xf32>
    %broadcast_in_dim3A_478 = vector.shape_cast %reduce_sum3A_477 : vector<2xf32> to vector<2x1xf32>
    %ge3A_479 = arith.constant 4.000000e+01 : f32
    %ge3A_480 = vector.broadcast %ge3A_479 : f32 to vector<2x1xf32>
    %ge3A_481 = arith.cmpf oge, %broadcast_in_dim3A_478, %ge3A_480 : vector<2x1xf32>
    %select_n3A_482 = arith.select %ge3A_481, %mul3A_471, %select_n3A_466 : vector<2x1xi1>, vector<2x1xf32>
    %select_n3A_483 = arith.select %ge3A_481, %select_n3A_467, %mul3A_471 : vector<2x1xi1>, vector<2x1xf32>
    %add3A_484 = arith.addf %select_n3A_482, %select_n3A_483 : vector<2x1xf32>
    %mul3A_485 = arith.constant 5.000000e-01 : f32
    %mul3A_486 = vector.broadcast %mul3A_485 : f32 to vector<2x1xf32>
    %mul3A_487 = arith.mulf %add3A_484, %mul3A_486 : vector<2x1xf32>
    %ge3A_488 = vector.broadcast %mul3A_487 : vector<2x1xf32> to vector<2x2048xf32>
    %ge3A_489 = arith.cmpf oge, %sub3A_171, %ge3A_488 : vector<2x2048xf32>
    %convert_element_type3A_490 = arith.extui %ge3A_489 : vector<2x2048xi1> to vector<2x2048xi32>
    %convert_element_type3A_491 = arith.sitofp %convert_element_type3A_490 : vector<2x2048xi32> to vector<2x2048xf32>
    %reduce_sum3A_492 = arith.constant dense<0.000000e+00> : vector<2xf32>
    %reduce_sum3A_493 = vector.multi_reduction <add>, %convert_element_type3A_491, %reduce_sum3A_492 [1] : vector<2x2048xf32> to vector<2xf32>
    %broadcast_in_dim3A_494 = vector.shape_cast %reduce_sum3A_493 : vector<2xf32> to vector<2x1xf32>
    %ge3A_495 = arith.constant 4.000000e+01 : f32
    %ge3A_496 = vector.broadcast %ge3A_495 : f32 to vector<2x1xf32>
    %ge3A_497 = arith.cmpf oge, %broadcast_in_dim3A_494, %ge3A_496 : vector<2x1xf32>
    %select_n3A_498 = arith.select %ge3A_497, %mul3A_487, %select_n3A_482 : vector<2x1xi1>, vector<2x1xf32>
    %select_n3A_499 = arith.select %ge3A_497, %select_n3A_483, %mul3A_487 : vector<2x1xi1>, vector<2x1xf32>
    %add3A_500 = arith.addf %select_n3A_498, %select_n3A_499 : vector<2x1xf32>
    %mul3A_501 = arith.constant 5.000000e-01 : f32
    %mul3A_502 = vector.broadcast %mul3A_501 : f32 to vector<2x1xf32>
    %mul3A_503 = arith.mulf %add3A_500, %mul3A_502 : vector<2x1xf32>
    %ge3A_504 = vector.broadcast %mul3A_503 : vector<2x1xf32> to vector<2x2048xf32>
    %ge3A_505 = arith.cmpf oge, %sub3A_171, %ge3A_504 : vector<2x2048xf32>
    %convert_element_type3A_506 = arith.extui %ge3A_505 : vector<2x2048xi1> to vector<2x2048xi32>
    %convert_element_type3A_507 = arith.sitofp %convert_element_type3A_506 : vector<2x2048xi32> to vector<2x2048xf32>
    %reduce_sum3A_508 = arith.constant dense<0.000000e+00> : vector<2xf32>
    %reduce_sum3A_509 = vector.multi_reduction <add>, %convert_element_type3A_507, %reduce_sum3A_508 [1] : vector<2x2048xf32> to vector<2xf32>
    %broadcast_in_dim3A_510 = vector.shape_cast %reduce_sum3A_509 : vector<2xf32> to vector<2x1xf32>
    %ge3A_511 = arith.constant 4.000000e+01 : f32
    %ge3A_512 = vector.broadcast %ge3A_511 : f32 to vector<2x1xf32>
    %ge3A_513 = arith.cmpf oge, %broadcast_in_dim3A_510, %ge3A_512 : vector<2x1xf32>
    %select_n3A_514 = arith.select %ge3A_513, %mul3A_503, %select_n3A_498 : vector<2x1xi1>, vector<2x1xf32>
    %select_n3A_515 = arith.select %ge3A_513, %select_n3A_499, %mul3A_503 : vector<2x1xi1>, vector<2x1xf32>
    %add3A_516 = arith.addf %select_n3A_514, %select_n3A_515 : vector<2x1xf32>
    %mul3A_517 = arith.constant 5.000000e-01 : f32
    %mul3A_518 = vector.broadcast %mul3A_517 : f32 to vector<2x1xf32>
    %mul3A_519 = arith.mulf %add3A_516, %mul3A_518 : vector<2x1xf32>
    %ge3A_520 = vector.broadcast %mul3A_519 : vector<2x1xf32> to vector<2x2048xf32>
    %ge3A_521 = arith.cmpf oge, %sub3A_171, %ge3A_520 : vector<2x2048xf32>
    %convert_element_type3A_522 = arith.extui %ge3A_521 : vector<2x2048xi1> to vector<2x2048xi32>
    %convert_element_type3A_523 = arith.sitofp %convert_element_type3A_522 : vector<2x2048xi32> to vector<2x2048xf32>
    %reduce_sum3A_524 = arith.constant dense<0.000000e+00> : vector<2xf32>
    %reduce_sum3A_525 = vector.multi_reduction <add>, %convert_element_type3A_523, %reduce_sum3A_524 [1] : vector<2x2048xf32> to vector<2xf32>
    %broadcast_in_dim3A_526 = vector.shape_cast %reduce_sum3A_525 : vector<2xf32> to vector<2x1xf32>
    %ge3A_527 = arith.constant 4.000000e+01 : f32
    %ge3A_528 = vector.broadcast %ge3A_527 : f32 to vector<2x1xf32>
    %ge3A_529 = arith.cmpf oge, %broadcast_in_dim3A_526, %ge3A_528 : vector<2x1xf32>
    %select_n3A_530 = arith.select %ge3A_529, %mul3A_519, %select_n3A_514 : vector<2x1xi1>, vector<2x1xf32>
    %select_n3A_531 = arith.select %ge3A_529, %select_n3A_515, %mul3A_519 : vector<2x1xi1>, vector<2x1xf32>
    %add3A_532 = arith.addf %select_n3A_530, %select_n3A_531 : vector<2x1xf32>
    %mul3A_533 = arith.constant 5.000000e-01 : f32
    %mul3A_534 = vector.broadcast %mul3A_533 : f32 to vector<2x1xf32>
    %mul3A_535 = arith.mulf %add3A_532, %mul3A_534 : vector<2x1xf32>
    %ge3A_536 = vector.broadcast %mul3A_535 : vector<2x1xf32> to vector<2x2048xf32>
    %ge3A_537 = arith.cmpf oge, %sub3A_171, %ge3A_536 : vector<2x2048xf32>
    %convert_element_type3A_538 = arith.extui %ge3A_537 : vector<2x2048xi1> to vector<2x2048xi32>
    %convert_element_type3A_539 = arith.sitofp %convert_element_type3A_538 : vector<2x2048xi32> to vector<2x2048xf32>
    %reduce_sum3A_540 = arith.constant dense<0.000000e+00> : vector<2xf32>
    %reduce_sum3A_541 = vector.multi_reduction <add>, %convert_element_type3A_539, %reduce_sum3A_540 [1] : vector<2x2048xf32> to vector<2xf32>
    %broadcast_in_dim3A_542 = vector.shape_cast %reduce_sum3A_541 : vector<2xf32> to vector<2x1xf32>
    %ge3A_543 = arith.constant 4.000000e+01 : f32
    %ge3A_544 = vector.broadcast %ge3A_543 : f32 to vector<2x1xf32>
    %ge3A_545 = arith.cmpf oge, %broadcast_in_dim3A_542, %ge3A_544 : vector<2x1xf32>
    %select_n3A_546 = arith.select %ge3A_545, %mul3A_535, %select_n3A_530 : vector<2x1xi1>, vector<2x1xf32>
    %select_n3A_547 = arith.select %ge3A_545, %select_n3A_531, %mul3A_535 : vector<2x1xi1>, vector<2x1xf32>
    %add3A_548 = arith.addf %select_n3A_546, %select_n3A_547 : vector<2x1xf32>
    %mul3A_549 = arith.constant 5.000000e-01 : f32
    %mul3A_550 = vector.broadcast %mul3A_549 : f32 to vector<2x1xf32>
    %mul3A_551 = arith.mulf %add3A_548, %mul3A_550 : vector<2x1xf32>
    %ge3A_552 = vector.broadcast %mul3A_551 : vector<2x1xf32> to vector<2x2048xf32>
    %ge3A_553 = arith.cmpf oge, %sub3A_171, %ge3A_552 : vector<2x2048xf32>
    %convert_element_type3A_554 = arith.extui %ge3A_553 : vector<2x2048xi1> to vector<2x2048xi32>
    %convert_element_type3A_555 = arith.sitofp %convert_element_type3A_554 : vector<2x2048xi32> to vector<2x2048xf32>
    %reduce_sum3A_556 = arith.constant dense<0.000000e+00> : vector<2xf32>
    %reduce_sum3A_557 = vector.multi_reduction <add>, %convert_element_type3A_555, %reduce_sum3A_556 [1] : vector<2x2048xf32> to vector<2xf32>
    %broadcast_in_dim3A_558 = vector.shape_cast %reduce_sum3A_557 : vector<2xf32> to vector<2x1xf32>
    %ge3A_559 = arith.constant 4.000000e+01 : f32
    %ge3A_560 = vector.broadcast %ge3A_559 : f32 to vector<2x1xf32>
    %ge3A_561 = arith.cmpf oge, %broadcast_in_dim3A_558, %ge3A_560 : vector<2x1xf32>
    %select_n3A_562 = arith.select %ge3A_561, %mul3A_551, %select_n3A_546 : vector<2x1xi1>, vector<2x1xf32>
    %select_n3A_563 = arith.select %ge3A_561, %select_n3A_547, %mul3A_551 : vector<2x1xi1>, vector<2x1xf32>
    %add3A_564 = arith.addf %select_n3A_562, %select_n3A_563 : vector<2x1xf32>
    %mul3A_565 = arith.constant 5.000000e-01 : f32
    %mul3A_566 = vector.broadcast %mul3A_565 : f32 to vector<2x1xf32>
    %mul3A_567 = arith.mulf %add3A_564, %mul3A_566 : vector<2x1xf32>
    %ge3A_568 = vector.broadcast %mul3A_567 : vector<2x1xf32> to vector<2x2048xf32>
    %ge3A_569 = arith.cmpf oge, %sub3A_171, %ge3A_568 : vector<2x2048xf32>
    %convert_element_type3A_570 = arith.extui %ge3A_569 : vector<2x2048xi1> to vector<2x2048xi32>
    %convert_element_type3A_571 = arith.sitofp %convert_element_type3A_570 : vector<2x2048xi32> to vector<2x2048xf32>
    %reduce_sum3A_572 = arith.constant dense<0.000000e+00> : vector<2xf32>
    %reduce_sum3A_573 = vector.multi_reduction <add>, %convert_element_type3A_571, %reduce_sum3A_572 [1] : vector<2x2048xf32> to vector<2xf32>
    %broadcast_in_dim3A_574 = vector.shape_cast %reduce_sum3A_573 : vector<2xf32> to vector<2x1xf32>
    %ge3A_575 = arith.constant 4.000000e+01 : f32
    %ge3A_576 = vector.broadcast %ge3A_575 : f32 to vector<2x1xf32>
    %ge3A_577 = arith.cmpf oge, %broadcast_in_dim3A_574, %ge3A_576 : vector<2x1xf32>
    %select_n3A_578 = arith.select %ge3A_577, %mul3A_567, %select_n3A_562 : vector<2x1xi1>, vector<2x1xf32>
    %select_n3A_579 = arith.select %ge3A_577, %select_n3A_563, %mul3A_567 : vector<2x1xi1>, vector<2x1xf32>
    %add3A_580 = arith.addf %select_n3A_578, %select_n3A_579 : vector<2x1xf32>
    %mul3A_581 = arith.constant 5.000000e-01 : f32
    %mul3A_582 = vector.broadcast %mul3A_581 : f32 to vector<2x1xf32>
    %mul3A_583 = arith.mulf %add3A_580, %mul3A_582 : vector<2x1xf32>
    %ge3A_584 = vector.broadcast %mul3A_583 : vector<2x1xf32> to vector<2x2048xf32>
    %ge3A_585 = arith.cmpf oge, %sub3A_171, %ge3A_584 : vector<2x2048xf32>
    %convert_element_type3A_586 = arith.extui %ge3A_585 : vector<2x2048xi1> to vector<2x2048xi32>
    %convert_element_type3A_587 = arith.sitofp %convert_element_type3A_586 : vector<2x2048xi32> to vector<2x2048xf32>
    %reduce_sum3A_588 = arith.constant dense<0.000000e+00> : vector<2xf32>
    %reduce_sum3A_589 = vector.multi_reduction <add>, %convert_element_type3A_587, %reduce_sum3A_588 [1] : vector<2x2048xf32> to vector<2xf32>
    %broadcast_in_dim3A_590 = vector.shape_cast %reduce_sum3A_589 : vector<2xf32> to vector<2x1xf32>
    %ge3A_591 = arith.constant 4.000000e+01 : f32
    %ge3A_592 = vector.broadcast %ge3A_591 : f32 to vector<2x1xf32>
    %ge3A_593 = arith.cmpf oge, %broadcast_in_dim3A_590, %ge3A_592 : vector<2x1xf32>
    %select_n3A_594 = arith.select %ge3A_593, %mul3A_583, %select_n3A_578 : vector<2x1xi1>, vector<2x1xf32>
    %select_n3A_595 = arith.select %ge3A_593, %select_n3A_579, %mul3A_583 : vector<2x1xi1>, vector<2x1xf32>
    %add3A_596 = arith.addf %select_n3A_594, %select_n3A_595 : vector<2x1xf32>
    %mul3A_597 = arith.constant 5.000000e-01 : f32
    %mul3A_598 = vector.broadcast %mul3A_597 : f32 to vector<2x1xf32>
    %mul3A_599 = arith.mulf %add3A_596, %mul3A_598 : vector<2x1xf32>
    %ge3A_600 = vector.broadcast %mul3A_599 : vector<2x1xf32> to vector<2x2048xf32>
    %ge3A_601 = arith.cmpf oge, %sub3A_171, %ge3A_600 : vector<2x2048xf32>
    %convert_element_type3A_602 = arith.extui %ge3A_601 : vector<2x2048xi1> to vector<2x2048xi32>
    %convert_element_type3A_603 = arith.sitofp %convert_element_type3A_602 : vector<2x2048xi32> to vector<2x2048xf32>
    %reduce_sum3A_604 = arith.constant dense<0.000000e+00> : vector<2xf32>
    %reduce_sum3A_605 = vector.multi_reduction <add>, %convert_element_type3A_603, %reduce_sum3A_604 [1] : vector<2x2048xf32> to vector<2xf32>
    %broadcast_in_dim3A_606 = vector.shape_cast %reduce_sum3A_605 : vector<2xf32> to vector<2x1xf32>
    %ge3A_607 = arith.constant 4.000000e+01 : f32
    %ge3A_608 = vector.broadcast %ge3A_607 : f32 to vector<2x1xf32>
    %ge3A_609 = arith.cmpf oge, %broadcast_in_dim3A_606, %ge3A_608 : vector<2x1xf32>
    %select_n3A_610 = arith.select %ge3A_609, %mul3A_599, %select_n3A_594 : vector<2x1xi1>, vector<2x1xf32>
    %select_n3A_611 = arith.select %ge3A_609, %select_n3A_595, %mul3A_599 : vector<2x1xi1>, vector<2x1xf32>
    %add3A_612 = arith.addf %select_n3A_610, %select_n3A_611 : vector<2x1xf32>
    %mul3A_613 = arith.constant 5.000000e-01 : f32
    %mul3A_614 = vector.broadcast %mul3A_613 : f32 to vector<2x1xf32>
    %mul3A_615 = arith.mulf %add3A_612, %mul3A_614 : vector<2x1xf32>
    %ge3A_616 = vector.broadcast %mul3A_615 : vector<2x1xf32> to vector<2x2048xf32>
    %ge3A_617 = arith.cmpf oge, %sub3A_171, %ge3A_616 : vector<2x2048xf32>
    %convert_element_type3A_618 = arith.extui %ge3A_617 : vector<2x2048xi1> to vector<2x2048xi32>
    %convert_element_type3A_619 = arith.sitofp %convert_element_type3A_618 : vector<2x2048xi32> to vector<2x2048xf32>
    %reduce_sum3A_620 = arith.constant dense<0.000000e+00> : vector<2xf32>
    %reduce_sum3A_621 = vector.multi_reduction <add>, %convert_element_type3A_619, %reduce_sum3A_620 [1] : vector<2x2048xf32> to vector<2xf32>
    %broadcast_in_dim3A_622 = vector.shape_cast %reduce_sum3A_621 : vector<2xf32> to vector<2x1xf32>
    %ge3A_623 = arith.constant 4.000000e+01 : f32
    %ge3A_624 = vector.broadcast %ge3A_623 : f32 to vector<2x1xf32>
    %ge3A_625 = arith.cmpf oge, %broadcast_in_dim3A_622, %ge3A_624 : vector<2x1xf32>
    %select_n3A_626 = arith.select %ge3A_625, %mul3A_615, %select_n3A_610 : vector<2x1xi1>, vector<2x1xf32>
    %select_n3A_627 = arith.select %ge3A_625, %select_n3A_611, %mul3A_615 : vector<2x1xi1>, vector<2x1xf32>
    %add3A_628 = arith.addf %select_n3A_626, %select_n3A_627 : vector<2x1xf32>
    %mul3A_629 = arith.constant 5.000000e-01 : f32
    %mul3A_630 = vector.broadcast %mul3A_629 : f32 to vector<2x1xf32>
    %mul3A_631 = arith.mulf %add3A_628, %mul3A_630 : vector<2x1xf32>
    %ge3A_632 = vector.broadcast %mul3A_631 : vector<2x1xf32> to vector<2x2048xf32>
    %ge3A_633 = arith.cmpf oge, %sub3A_171, %ge3A_632 : vector<2x2048xf32>
    %convert_element_type3A_634 = arith.extui %ge3A_633 : vector<2x2048xi1> to vector<2x2048xi32>
    %convert_element_type3A_635 = arith.sitofp %convert_element_type3A_634 : vector<2x2048xi32> to vector<2x2048xf32>
    %reduce_sum3A_636 = arith.constant dense<0.000000e+00> : vector<2xf32>
    %reduce_sum3A_637 = vector.multi_reduction <add>, %convert_element_type3A_635, %reduce_sum3A_636 [1] : vector<2x2048xf32> to vector<2xf32>
    %broadcast_in_dim3A_638 = vector.shape_cast %reduce_sum3A_637 : vector<2xf32> to vector<2x1xf32>
    %ge3A_639 = arith.constant 4.000000e+01 : f32
    %ge3A_640 = vector.broadcast %ge3A_639 : f32 to vector<2x1xf32>
    %ge3A_641 = arith.cmpf oge, %broadcast_in_dim3A_638, %ge3A_640 : vector<2x1xf32>
    %select_n3A_642 = arith.select %ge3A_641, %mul3A_631, %select_n3A_626 : vector<2x1xi1>, vector<2x1xf32>
    %select_n3A_643 = arith.select %ge3A_641, %select_n3A_627, %mul3A_631 : vector<2x1xi1>, vector<2x1xf32>
    %add3A_644 = arith.addf %select_n3A_642, %select_n3A_643 : vector<2x1xf32>
    %mul3A_645 = arith.constant 5.000000e-01 : f32
    %mul3A_646 = vector.broadcast %mul3A_645 : f32 to vector<2x1xf32>
    %mul3A_647 = arith.mulf %add3A_644, %mul3A_646 : vector<2x1xf32>
    %ge3A_648 = vector.broadcast %mul3A_647 : vector<2x1xf32> to vector<2x2048xf32>
    %ge3A_649 = arith.cmpf oge, %sub3A_171, %ge3A_648 : vector<2x2048xf32>
    %convert_element_type3A_650 = arith.extui %ge3A_649 : vector<2x2048xi1> to vector<2x2048xi32>
    %convert_element_type3A_651 = arith.sitofp %convert_element_type3A_650 : vector<2x2048xi32> to vector<2x2048xf32>
    %reduce_sum3A_652 = arith.constant dense<0.000000e+00> : vector<2xf32>
    %reduce_sum3A_653 = vector.multi_reduction <add>, %convert_element_type3A_651, %reduce_sum3A_652 [1] : vector<2x2048xf32> to vector<2xf32>
    %broadcast_in_dim3A_654 = vector.shape_cast %reduce_sum3A_653 : vector<2xf32> to vector<2x1xf32>
    %ge3A_655 = arith.constant 4.000000e+01 : f32
    %ge3A_656 = vector.broadcast %ge3A_655 : f32 to vector<2x1xf32>
    %ge3A_657 = arith.cmpf oge, %broadcast_in_dim3A_654, %ge3A_656 : vector<2x1xf32>
    %select_n3A_658 = arith.select %ge3A_657, %mul3A_647, %select_n3A_642 : vector<2x1xi1>, vector<2x1xf32>
    %select_n3A_659 = arith.select %ge3A_657, %select_n3A_643, %mul3A_647 : vector<2x1xi1>, vector<2x1xf32>
    %add3A_660 = arith.addf %select_n3A_658, %select_n3A_659 : vector<2x1xf32>
    %mul3A_661 = arith.constant 5.000000e-01 : f32
    %mul3A_662 = vector.broadcast %mul3A_661 : f32 to vector<2x1xf32>
    %mul3A_663 = arith.mulf %add3A_660, %mul3A_662 : vector<2x1xf32>
    %ge3A_664 = vector.broadcast %mul3A_663 : vector<2x1xf32> to vector<2x2048xf32>
    %ge3A_665 = arith.cmpf oge, %sub3A_171, %ge3A_664 : vector<2x2048xf32>
    %convert_element_type3A_666 = arith.extui %ge3A_665 : vector<2x2048xi1> to vector<2x2048xi32>
    %convert_element_type3A_667 = arith.sitofp %convert_element_type3A_666 : vector<2x2048xi32> to vector<2x2048xf32>
    %reduce_sum3A_668 = arith.constant dense<0.000000e+00> : vector<2xf32>
    %reduce_sum3A_669 = vector.multi_reduction <add>, %convert_element_type3A_667, %reduce_sum3A_668 [1] : vector<2x2048xf32> to vector<2xf32>
    %broadcast_in_dim3A_670 = vector.shape_cast %reduce_sum3A_669 : vector<2xf32> to vector<2x1xf32>
    %ge3A_671 = arith.constant 4.000000e+01 : f32
    %ge3A_672 = vector.broadcast %ge3A_671 : f32 to vector<2x1xf32>
    %ge3A_673 = arith.cmpf oge, %broadcast_in_dim3A_670, %ge3A_672 : vector<2x1xf32>
    %select_n3A_674 = arith.select %ge3A_673, %mul3A_663, %select_n3A_658 : vector<2x1xi1>, vector<2x1xf32>
    %select_n3A_675 = arith.select %ge3A_673, %select_n3A_659, %mul3A_663 : vector<2x1xi1>, vector<2x1xf32>
    %add3A_676 = arith.addf %select_n3A_674, %select_n3A_675 : vector<2x1xf32>
    %mul3A_677 = arith.constant 5.000000e-01 : f32
    %mul3A_678 = vector.broadcast %mul3A_677 : f32 to vector<2x1xf32>
    %mul3A_679 = arith.mulf %add3A_676, %mul3A_678 : vector<2x1xf32>
    %ge3A_680 = vector.broadcast %mul3A_679 : vector<2x1xf32> to vector<2x2048xf32>
    %ge3A_681 = arith.cmpf oge, %sub3A_171, %ge3A_680 : vector<2x2048xf32>
    %convert_element_type3A_682 = arith.extui %ge3A_681 : vector<2x2048xi1> to vector<2x2048xi32>
    %convert_element_type3A_683 = arith.sitofp %convert_element_type3A_682 : vector<2x2048xi32> to vector<2x2048xf32>
    %reduce_sum3A_684 = arith.constant dense<0.000000e+00> : vector<2xf32>
    %reduce_sum3A_685 = vector.multi_reduction <add>, %convert_element_type3A_683, %reduce_sum3A_684 [1] : vector<2x2048xf32> to vector<2xf32>
    %broadcast_in_dim3A_686 = vector.shape_cast %reduce_sum3A_685 : vector<2xf32> to vector<2x1xf32>
    %ge3A_687 = arith.constant 4.000000e+01 : f32
    %ge3A_688 = vector.broadcast %ge3A_687 : f32 to vector<2x1xf32>
    %ge3A_689 = arith.cmpf oge, %broadcast_in_dim3A_686, %ge3A_688 : vector<2x1xf32>
    %select_n3A_690 = arith.select %ge3A_689, %mul3A_679, %select_n3A_674 : vector<2x1xi1>, vector<2x1xf32>
    %select_n3A_691 = arith.select %ge3A_689, %select_n3A_675, %mul3A_679 : vector<2x1xi1>, vector<2x1xf32>
    %add3A_692 = arith.addf %select_n3A_690, %select_n3A_691 : vector<2x1xf32>
    %mul3A_693 = arith.constant 5.000000e-01 : f32
    %mul3A_694 = vector.broadcast %mul3A_693 : f32 to vector<2x1xf32>
    %mul3A_695 = arith.mulf %add3A_692, %mul3A_694 : vector<2x1xf32>
    %ge3A_696 = vector.broadcast %mul3A_695 : vector<2x1xf32> to vector<2x2048xf32>
    %ge3A_697 = arith.cmpf oge, %sub3A_171, %ge3A_696 : vector<2x2048xf32>
    %convert_element_type3A_698 = arith.extui %ge3A_697 : vector<2x2048xi1> to vector<2x2048xi32>
    %convert_element_type3A_699 = arith.sitofp %convert_element_type3A_698 : vector<2x2048xi32> to vector<2x2048xf32>
    %reduce_sum3A_700 = arith.constant dense<0.000000e+00> : vector<2xf32>
    %reduce_sum3A_701 = vector.multi_reduction <add>, %convert_element_type3A_699, %reduce_sum3A_700 [1] : vector<2x2048xf32> to vector<2xf32>
    %broadcast_in_dim3A_702 = vector.shape_cast %reduce_sum3A_701 : vector<2xf32> to vector<2x1xf32>
    %ge3A_703 = arith.constant 4.000000e+01 : f32
    %ge3A_704 = vector.broadcast %ge3A_703 : f32 to vector<2x1xf32>
    %ge3A_705 = arith.cmpf oge, %broadcast_in_dim3A_702, %ge3A_704 : vector<2x1xf32>
    %select_n3A_706 = arith.select %ge3A_705, %mul3A_695, %select_n3A_690 : vector<2x1xi1>, vector<2x1xf32>
    %select_n3A_707 = arith.select %ge3A_705, %select_n3A_691, %mul3A_695 : vector<2x1xi1>, vector<2x1xf32>
    %add3A_708 = arith.addf %select_n3A_706, %select_n3A_707 : vector<2x1xf32>
    %mul3A_709 = arith.constant 5.000000e-01 : f32
    %mul3A_710 = vector.broadcast %mul3A_709 : f32 to vector<2x1xf32>
    %mul3A_711 = arith.mulf %add3A_708, %mul3A_710 : vector<2x1xf32>
    %ge3A_712 = vector.broadcast %mul3A_711 : vector<2x1xf32> to vector<2x2048xf32>
    %ge3A_713 = arith.cmpf oge, %sub3A_171, %ge3A_712 : vector<2x2048xf32>
    %convert_element_type3A_714 = arith.extui %ge3A_713 : vector<2x2048xi1> to vector<2x2048xi32>
    %convert_element_type3A_715 = arith.sitofp %convert_element_type3A_714 : vector<2x2048xi32> to vector<2x2048xf32>
    %reduce_sum3A_716 = arith.constant dense<0.000000e+00> : vector<2xf32>
    %reduce_sum3A_717 = vector.multi_reduction <add>, %convert_element_type3A_715, %reduce_sum3A_716 [1] : vector<2x2048xf32> to vector<2xf32>
    %broadcast_in_dim3A_718 = vector.shape_cast %reduce_sum3A_717 : vector<2xf32> to vector<2x1xf32>
    %ge3A_719 = arith.constant 4.000000e+01 : f32
    %ge3A_720 = vector.broadcast %ge3A_719 : f32 to vector<2x1xf32>
    %ge3A_721 = arith.cmpf oge, %broadcast_in_dim3A_718, %ge3A_720 : vector<2x1xf32>
    %select_n3A_722 = arith.select %ge3A_721, %mul3A_711, %select_n3A_706 : vector<2x1xi1>, vector<2x1xf32>
    %select_n3A_723 = arith.select %ge3A_721, %select_n3A_707, %mul3A_711 : vector<2x1xi1>, vector<2x1xf32>
    %add3A_724 = arith.addf %select_n3A_722, %select_n3A_723 : vector<2x1xf32>
    %mul3A_725 = arith.constant 5.000000e-01 : f32
    %mul3A_726 = vector.broadcast %mul3A_725 : f32 to vector<2x1xf32>
    %mul3A_727 = arith.mulf %add3A_724, %mul3A_726 : vector<2x1xf32>
    %ge3A_728 = vector.broadcast %mul3A_727 : vector<2x1xf32> to vector<2x2048xf32>
    %ge3A_729 = arith.cmpf oge, %sub3A_171, %ge3A_728 : vector<2x2048xf32>
    %convert_element_type3A_730 = arith.extui %ge3A_729 : vector<2x2048xi1> to vector<2x2048xi32>
    %convert_element_type3A_731 = arith.sitofp %convert_element_type3A_730 : vector<2x2048xi32> to vector<2x2048xf32>
    %reduce_sum3A_732 = arith.constant dense<0.000000e+00> : vector<2xf32>
    %reduce_sum3A_733 = vector.multi_reduction <add>, %convert_element_type3A_731, %reduce_sum3A_732 [1] : vector<2x2048xf32> to vector<2xf32>
    %broadcast_in_dim3A_734 = vector.shape_cast %reduce_sum3A_733 : vector<2xf32> to vector<2x1xf32>
    %ge3A_735 = arith.constant 4.000000e+01 : f32
    %ge3A_736 = vector.broadcast %ge3A_735 : f32 to vector<2x1xf32>
    %ge3A_737 = arith.cmpf oge, %broadcast_in_dim3A_734, %ge3A_736 : vector<2x1xf32>
    %select_n3A_738 = arith.select %ge3A_737, %mul3A_727, %select_n3A_722 : vector<2x1xi1>, vector<2x1xf32>
    %select_n3A_739 = arith.select %ge3A_737, %select_n3A_723, %mul3A_727 : vector<2x1xi1>, vector<2x1xf32>
    %add3A_740 = arith.addf %select_n3A_738, %select_n3A_739 : vector<2x1xf32>
    %mul3A_741 = arith.constant 5.000000e-01 : f32
    %mul3A_742 = vector.broadcast %mul3A_741 : f32 to vector<2x1xf32>
    %mul3A_743 = arith.mulf %add3A_740, %mul3A_742 : vector<2x1xf32>
    %ge3A_744 = vector.broadcast %mul3A_743 : vector<2x1xf32> to vector<2x2048xf32>
    %ge3A_745 = arith.cmpf oge, %sub3A_171, %ge3A_744 : vector<2x2048xf32>
    %convert_element_type3A_746 = arith.extui %ge3A_745 : vector<2x2048xi1> to vector<2x2048xi32>
    %convert_element_type3A_747 = arith.sitofp %convert_element_type3A_746 : vector<2x2048xi32> to vector<2x2048xf32>
    %reduce_sum3A_748 = arith.constant dense<0.000000e+00> : vector<2xf32>
    %reduce_sum3A_749 = vector.multi_reduction <add>, %convert_element_type3A_747, %reduce_sum3A_748 [1] : vector<2x2048xf32> to vector<2xf32>
    %broadcast_in_dim3A_750 = vector.shape_cast %reduce_sum3A_749 : vector<2xf32> to vector<2x1xf32>
    %ge3A_751 = arith.constant 4.000000e+01 : f32
    %ge3A_752 = vector.broadcast %ge3A_751 : f32 to vector<2x1xf32>
    %ge3A_753 = arith.cmpf oge, %broadcast_in_dim3A_750, %ge3A_752 : vector<2x1xf32>
    %select_n3A_754 = arith.select %ge3A_753, %mul3A_743, %select_n3A_738 : vector<2x1xi1>, vector<2x1xf32>
    %select_n3A_755 = arith.select %ge3A_753, %select_n3A_739, %mul3A_743 : vector<2x1xi1>, vector<2x1xf32>
    %add3A_756 = arith.addf %select_n3A_754, %select_n3A_755 : vector<2x1xf32>
    %mul3A_757 = arith.constant 5.000000e-01 : f32
    %mul3A_758 = vector.broadcast %mul3A_757 : f32 to vector<2x1xf32>
    %mul3A_759 = arith.mulf %add3A_756, %mul3A_758 : vector<2x1xf32>
    %ge3A_760 = vector.broadcast %mul3A_759 : vector<2x1xf32> to vector<2x2048xf32>
    %ge3A_761 = arith.cmpf oge, %sub3A_171, %ge3A_760 : vector<2x2048xf32>
    %convert_element_type3A_762 = arith.extui %ge3A_761 : vector<2x2048xi1> to vector<2x2048xi32>
    %convert_element_type3A_763 = arith.sitofp %convert_element_type3A_762 : vector<2x2048xi32> to vector<2x2048xf32>
    %reduce_sum3A_764 = arith.constant dense<0.000000e+00> : vector<2xf32>
    %reduce_sum3A_765 = vector.multi_reduction <add>, %convert_element_type3A_763, %reduce_sum3A_764 [1] : vector<2x2048xf32> to vector<2xf32>
    %broadcast_in_dim3A_766 = vector.shape_cast %reduce_sum3A_765 : vector<2xf32> to vector<2x1xf32>
    %ge3A_767 = arith.constant 4.000000e+01 : f32
    %ge3A_768 = vector.broadcast %ge3A_767 : f32 to vector<2x1xf32>
    %ge3A_769 = arith.cmpf oge, %broadcast_in_dim3A_766, %ge3A_768 : vector<2x1xf32>
    %select_n3A_770 = arith.select %ge3A_769, %mul3A_759, %select_n3A_754 : vector<2x1xi1>, vector<2x1xf32>
    %select_n3A_771 = arith.select %ge3A_769, %select_n3A_755, %mul3A_759 : vector<2x1xi1>, vector<2x1xf32>
    %add3A_772 = arith.addf %select_n3A_770, %select_n3A_771 : vector<2x1xf32>
    %mul3A_773 = arith.constant 5.000000e-01 : f32
    %mul3A_774 = vector.broadcast %mul3A_773 : f32 to vector<2x1xf32>
    %mul3A_775 = arith.mulf %add3A_772, %mul3A_774 : vector<2x1xf32>
    %ge3A_776 = vector.broadcast %mul3A_775 : vector<2x1xf32> to vector<2x2048xf32>
    %ge3A_777 = arith.cmpf oge, %sub3A_171, %ge3A_776 : vector<2x2048xf32>
    %convert_element_type3A_778 = arith.extui %ge3A_777 : vector<2x2048xi1> to vector<2x2048xi32>
    %convert_element_type3A_779 = arith.sitofp %convert_element_type3A_778 : vector<2x2048xi32> to vector<2x2048xf32>
    %reduce_sum3A_780 = arith.constant dense<0.000000e+00> : vector<2xf32>
    %reduce_sum3A_781 = vector.multi_reduction <add>, %convert_element_type3A_779, %reduce_sum3A_780 [1] : vector<2x2048xf32> to vector<2xf32>
    %broadcast_in_dim3A_782 = vector.shape_cast %reduce_sum3A_781 : vector<2xf32> to vector<2x1xf32>
    %ge3A_783 = arith.constant 4.000000e+01 : f32
    %ge3A_784 = vector.broadcast %ge3A_783 : f32 to vector<2x1xf32>
    %ge3A_785 = arith.cmpf oge, %broadcast_in_dim3A_782, %ge3A_784 : vector<2x1xf32>
    %select_n3A_786 = arith.select %ge3A_785, %mul3A_775, %select_n3A_770 : vector<2x1xi1>, vector<2x1xf32>
    %select_n3A_787 = arith.select %ge3A_785, %select_n3A_771, %mul3A_775 : vector<2x1xi1>, vector<2x1xf32>
    %add3A_788 = arith.addf %select_n3A_786, %select_n3A_787 : vector<2x1xf32>
    %mul3A_789 = arith.constant 5.000000e-01 : f32
    %mul3A_790 = vector.broadcast %mul3A_789 : f32 to vector<2x1xf32>
    %mul3A_791 = arith.mulf %add3A_788, %mul3A_790 : vector<2x1xf32>
    %ge3A_792 = vector.broadcast %mul3A_791 : vector<2x1xf32> to vector<2x2048xf32>
    %ge3A_793 = arith.cmpf oge, %sub3A_171, %ge3A_792 : vector<2x2048xf32>
    %convert_element_type3A_794 = arith.extui %ge3A_793 : vector<2x2048xi1> to vector<2x2048xi32>
    %convert_element_type3A_795 = arith.sitofp %convert_element_type3A_794 : vector<2x2048xi32> to vector<2x2048xf32>
    %reduce_sum3A_796 = arith.constant dense<0.000000e+00> : vector<2xf32>
    %reduce_sum3A_797 = vector.multi_reduction <add>, %convert_element_type3A_795, %reduce_sum3A_796 [1] : vector<2x2048xf32> to vector<2xf32>
    %broadcast_in_dim3A_798 = vector.shape_cast %reduce_sum3A_797 : vector<2xf32> to vector<2x1xf32>
    %ge3A_799 = arith.constant 4.000000e+01 : f32
    %ge3A_800 = vector.broadcast %ge3A_799 : f32 to vector<2x1xf32>
    %ge3A_801 = arith.cmpf oge, %broadcast_in_dim3A_798, %ge3A_800 : vector<2x1xf32>
    %select_n3A_802 = arith.select %ge3A_801, %mul3A_791, %select_n3A_786 : vector<2x1xi1>, vector<2x1xf32>
    %select_n3A_803 = arith.select %ge3A_801, %select_n3A_787, %mul3A_791 : vector<2x1xi1>, vector<2x1xf32>
    %add3A_804 = arith.addf %select_n3A_802, %select_n3A_803 : vector<2x1xf32>
    %mul3A_805 = arith.constant 5.000000e-01 : f32
    %mul3A_806 = vector.broadcast %mul3A_805 : f32 to vector<2x1xf32>
    %mul3A_807 = arith.mulf %add3A_804, %mul3A_806 : vector<2x1xf32>
    %ge3A_808 = vector.broadcast %mul3A_807 : vector<2x1xf32> to vector<2x2048xf32>
    %ge3A_809 = arith.cmpf oge, %sub3A_171, %ge3A_808 : vector<2x2048xf32>
    %convert_element_type3A_810 = arith.extui %ge3A_809 : vector<2x2048xi1> to vector<2x2048xi32>
    %convert_element_type3A_811 = arith.sitofp %convert_element_type3A_810 : vector<2x2048xi32> to vector<2x2048xf32>
    %reduce_sum3A_812 = arith.constant dense<0.000000e+00> : vector<2xf32>
    %reduce_sum3A_813 = vector.multi_reduction <add>, %convert_element_type3A_811, %reduce_sum3A_812 [1] : vector<2x2048xf32> to vector<2xf32>
    %broadcast_in_dim3A_814 = vector.shape_cast %reduce_sum3A_813 : vector<2xf32> to vector<2x1xf32>
    %ge3A_815 = arith.constant 4.000000e+01 : f32
    %ge3A_816 = vector.broadcast %ge3A_815 : f32 to vector<2x1xf32>
    %ge3A_817 = arith.cmpf oge, %broadcast_in_dim3A_814, %ge3A_816 : vector<2x1xf32>
    %select_n3A_818 = arith.select %ge3A_817, %mul3A_807, %select_n3A_802 : vector<2x1xi1>, vector<2x1xf32>
    %select_n3A_819 = arith.select %ge3A_817, %select_n3A_803, %mul3A_807 : vector<2x1xi1>, vector<2x1xf32>
    %add3A_820 = arith.addf %select_n3A_818, %select_n3A_819 : vector<2x1xf32>
    %mul3A_821 = arith.constant 5.000000e-01 : f32
    %mul3A_822 = vector.broadcast %mul3A_821 : f32 to vector<2x1xf32>
    %mul3A_823 = arith.mulf %add3A_820, %mul3A_822 : vector<2x1xf32>
    %ge3A_824 = vector.broadcast %mul3A_823 : vector<2x1xf32> to vector<2x2048xf32>
    %ge3A_825 = arith.cmpf oge, %sub3A_171, %ge3A_824 : vector<2x2048xf32>
    %convert_element_type3A_826 = arith.extui %ge3A_825 : vector<2x2048xi1> to vector<2x2048xi32>
    %convert_element_type3A_827 = arith.sitofp %convert_element_type3A_826 : vector<2x2048xi32> to vector<2x2048xf32>
    %reduce_sum3A_828 = arith.constant dense<0.000000e+00> : vector<2xf32>
    %reduce_sum3A_829 = vector.multi_reduction <add>, %convert_element_type3A_827, %reduce_sum3A_828 [1] : vector<2x2048xf32> to vector<2xf32>
    %broadcast_in_dim3A_830 = vector.shape_cast %reduce_sum3A_829 : vector<2xf32> to vector<2x1xf32>
    %ge3A_831 = arith.constant 4.000000e+01 : f32
    %ge3A_832 = vector.broadcast %ge3A_831 : f32 to vector<2x1xf32>
    %ge3A_833 = arith.cmpf oge, %broadcast_in_dim3A_830, %ge3A_832 : vector<2x1xf32>
    %select_n3A_834 = arith.select %ge3A_833, %mul3A_823, %select_n3A_818 : vector<2x1xi1>, vector<2x1xf32>
    %select_n3A_835 = arith.select %ge3A_833, %select_n3A_819, %mul3A_823 : vector<2x1xi1>, vector<2x1xf32>
    %add3A_836 = arith.addf %select_n3A_834, %select_n3A_835 : vector<2x1xf32>
    %mul3A_837 = arith.constant 5.000000e-01 : f32
    %mul3A_838 = vector.broadcast %mul3A_837 : f32 to vector<2x1xf32>
    %mul3A_839 = arith.mulf %add3A_836, %mul3A_838 : vector<2x1xf32>
    %ge3A_840 = vector.broadcast %mul3A_839 : vector<2x1xf32> to vector<2x2048xf32>
    %ge3A_841 = arith.cmpf oge, %sub3A_171, %ge3A_840 : vector<2x2048xf32>
    %convert_element_type3A_842 = arith.extui %ge3A_841 : vector<2x2048xi1> to vector<2x2048xi32>
    %convert_element_type3A_843 = arith.sitofp %convert_element_type3A_842 : vector<2x2048xi32> to vector<2x2048xf32>
    %reduce_sum3A_844 = arith.constant dense<0.000000e+00> : vector<2xf32>
    %reduce_sum3A_845 = vector.multi_reduction <add>, %convert_element_type3A_843, %reduce_sum3A_844 [1] : vector<2x2048xf32> to vector<2xf32>
    %broadcast_in_dim3A_846 = vector.shape_cast %reduce_sum3A_845 : vector<2xf32> to vector<2x1xf32>
    %ge3A_847 = arith.constant 4.000000e+01 : f32
    %ge3A_848 = vector.broadcast %ge3A_847 : f32 to vector<2x1xf32>
    %ge3A_849 = arith.cmpf oge, %broadcast_in_dim3A_846, %ge3A_848 : vector<2x1xf32>
    %select_n3A_850 = arith.select %ge3A_849, %mul3A_839, %select_n3A_834 : vector<2x1xi1>, vector<2x1xf32>
    %select_n3A_851 = arith.select %ge3A_849, %select_n3A_835, %mul3A_839 : vector<2x1xi1>, vector<2x1xf32>
    %add3A_852 = arith.addf %select_n3A_850, %select_n3A_851 : vector<2x1xf32>
    %mul3A_853 = arith.constant 5.000000e-01 : f32
    %mul3A_854 = vector.broadcast %mul3A_853 : f32 to vector<2x1xf32>
    %mul3A_855 = arith.mulf %add3A_852, %mul3A_854 : vector<2x1xf32>
    %ge3A_856 = vector.broadcast %mul3A_855 : vector<2x1xf32> to vector<2x2048xf32>
    %ge3A_857 = arith.cmpf oge, %sub3A_171, %ge3A_856 : vector<2x2048xf32>
    %convert_element_type3A_858 = arith.extui %ge3A_857 : vector<2x2048xi1> to vector<2x2048xi32>
    %convert_element_type3A_859 = arith.sitofp %convert_element_type3A_858 : vector<2x2048xi32> to vector<2x2048xf32>
    %reduce_sum3A_860 = arith.constant dense<0.000000e+00> : vector<2xf32>
    %reduce_sum3A_861 = vector.multi_reduction <add>, %convert_element_type3A_859, %reduce_sum3A_860 [1] : vector<2x2048xf32> to vector<2xf32>
    %broadcast_in_dim3A_862 = vector.shape_cast %reduce_sum3A_861 : vector<2xf32> to vector<2x1xf32>
    %ge3A_863 = arith.constant 4.000000e+01 : f32
    %ge3A_864 = vector.broadcast %ge3A_863 : f32 to vector<2x1xf32>
    %ge3A_865 = arith.cmpf oge, %broadcast_in_dim3A_862, %ge3A_864 : vector<2x1xf32>
    %select_n3A_866 = arith.select %ge3A_865, %mul3A_855, %select_n3A_850 : vector<2x1xi1>, vector<2x1xf32>
    %select_n3A_867 = arith.select %ge3A_865, %select_n3A_851, %mul3A_855 : vector<2x1xi1>, vector<2x1xf32>
    %add3A_868 = arith.addf %select_n3A_866, %select_n3A_867 : vector<2x1xf32>
    %mul3A_869 = arith.constant 5.000000e-01 : f32
    %mul3A_870 = vector.broadcast %mul3A_869 : f32 to vector<2x1xf32>
    %mul3A_871 = arith.mulf %add3A_868, %mul3A_870 : vector<2x1xf32>
    %ge3A_872 = vector.broadcast %mul3A_871 : vector<2x1xf32> to vector<2x2048xf32>
    %ge3A_873 = arith.cmpf oge, %sub3A_171, %ge3A_872 : vector<2x2048xf32>
    %convert_element_type3A_874 = arith.extui %ge3A_873 : vector<2x2048xi1> to vector<2x2048xi32>
    %convert_element_type3A_875 = arith.sitofp %convert_element_type3A_874 : vector<2x2048xi32> to vector<2x2048xf32>
    %reduce_sum3A_876 = arith.constant dense<0.000000e+00> : vector<2xf32>
    %reduce_sum3A_877 = vector.multi_reduction <add>, %convert_element_type3A_875, %reduce_sum3A_876 [1] : vector<2x2048xf32> to vector<2xf32>
    %broadcast_in_dim3A_878 = vector.shape_cast %reduce_sum3A_877 : vector<2xf32> to vector<2x1xf32>
    %ge3A_879 = arith.constant 4.000000e+01 : f32
    %ge3A_880 = vector.broadcast %ge3A_879 : f32 to vector<2x1xf32>
    %ge3A_881 = arith.cmpf oge, %broadcast_in_dim3A_878, %ge3A_880 : vector<2x1xf32>
    %select_n3A_882 = arith.select %ge3A_881, %mul3A_871, %select_n3A_866 : vector<2x1xi1>, vector<2x1xf32>
    %ge3A_883 = vector.broadcast %select_n3A_882 : vector<2x1xf32> to vector<2x2048xf32>
    %ge3A_884 = arith.cmpf oge, %sub3A_171, %ge3A_883 : vector<2x2048xf32>
    %convert_element_type3A_885 = arith.extui %ge3A_884 : vector<2x2048xi1> to vector<2x2048xi32>
    %convert_element_type3A_886 = arith.sitofp %convert_element_type3A_885 : vector<2x2048xi32> to vector<2x2048xf32>
    %broadcast_in_dim3A_887 = arith.constant 0.000000e+00 : f32
    %broadcast_in_dim3A_888 = vector.broadcast %broadcast_in_dim3A_887 : f32 to vector<2x1xf32>
    %slice3A_889 = vector.extract_strided_slice %convert_element_type3A_886 {offsets = [0, 0], sizes = [2, 2047], strides = [1, 1]} : vector<2x2048xf32> to vector<2x2047xf32>
    %concatenate3A_890 = tpu.concatenate %broadcast_in_dim3A_888, %slice3A_889 in 1 : vector<2x1xf32>, vector<2x2047xf32> -> vector<2x2048xf32>
    %add3A_891 = arith.addf %convert_element_type3A_886, %concatenate3A_890 : vector<2x2048xf32>
    %broadcast_in_dim3A_892 = arith.constant 0.000000e+00 : f32
    %broadcast_in_dim3A_893 = vector.broadcast %broadcast_in_dim3A_892 : f32 to vector<2x2xf32>
    %slice3A_894 = vector.extract_strided_slice %add3A_891 {offsets = [0, 0], sizes = [2, 2046], strides = [1, 1]} : vector<2x2048xf32> to vector<2x2046xf32>
    %concatenate3A_895 = tpu.concatenate %broadcast_in_dim3A_893, %slice3A_894 in 1 : vector<2x2xf32>, vector<2x2046xf32> -> vector<2x2048xf32>
    %add3A_896 = arith.addf %add3A_891, %concatenate3A_895 : vector<2x2048xf32>
    %broadcast_in_dim3A_897 = arith.constant 0.000000e+00 : f32
    %broadcast_in_dim3A_898 = vector.broadcast %broadcast_in_dim3A_897 : f32 to vector<2x4xf32>
    %slice3A_899 = vector.extract_strided_slice %add3A_896 {offsets = [0, 0], sizes = [2, 2044], strides = [1, 1]} : vector<2x2048xf32> to vector<2x2044xf32>
    %concatenate3A_900 = tpu.concatenate %broadcast_in_dim3A_898, %slice3A_899 in 1 : vector<2x4xf32>, vector<2x2044xf32> -> vector<2x2048xf32>
    %add3A_901 = arith.addf %add3A_896, %concatenate3A_900 : vector<2x2048xf32>
    %broadcast_in_dim3A_902 = arith.constant 0.000000e+00 : f32
    %broadcast_in_dim3A_903 = vector.broadcast %broadcast_in_dim3A_902 : f32 to vector<2x8xf32>
    %slice3A_904 = vector.extract_strided_slice %add3A_901 {offsets = [0, 0], sizes = [2, 2040], strides = [1, 1]} : vector<2x2048xf32> to vector<2x2040xf32>
    %concatenate3A_905 = tpu.concatenate %broadcast_in_dim3A_903, %slice3A_904 in 1 : vector<2x8xf32>, vector<2x2040xf32> -> vector<2x2048xf32>
    %add3A_906 = arith.addf %add3A_901, %concatenate3A_905 : vector<2x2048xf32>
    %broadcast_in_dim3A_907 = arith.constant 0.000000e+00 : f32
    %broadcast_in_dim3A_908 = vector.broadcast %broadcast_in_dim3A_907 : f32 to vector<2x16xf32>
    %slice3A_909 = vector.extract_strided_slice %add3A_906 {offsets = [0, 0], sizes = [2, 2032], strides = [1, 1]} : vector<2x2048xf32> to vector<2x2032xf32>
    %concatenate3A_910 = tpu.concatenate %broadcast_in_dim3A_908, %slice3A_909 in 1 : vector<2x16xf32>, vector<2x2032xf32> -> vector<2x2048xf32>
    %add3A_911 = arith.addf %add3A_906, %concatenate3A_910 : vector<2x2048xf32>
    %broadcast_in_dim3A_912 = arith.constant 0.000000e+00 : f32
    %broadcast_in_dim3A_913 = vector.broadcast %broadcast_in_dim3A_912 : f32 to vector<2x32xf32>
    %slice3A_914 = vector.extract_strided_slice %add3A_911 {offsets = [0, 0], sizes = [2, 2016], strides = [1, 1]} : vector<2x2048xf32> to vector<2x2016xf32>
    %concatenate3A_915 = tpu.concatenate %broadcast_in_dim3A_913, %slice3A_914 in 1 : vector<2x32xf32>, vector<2x2016xf32> -> vector<2x2048xf32>
    %add3A_916 = arith.addf %add3A_911, %concatenate3A_915 : vector<2x2048xf32>
    %broadcast_in_dim3A_917 = arith.constant 0.000000e+00 : f32
    %broadcast_in_dim3A_918 = vector.broadcast %broadcast_in_dim3A_917 : f32 to vector<2x64xf32>
    %slice3A_919 = vector.extract_strided_slice %add3A_916 {offsets = [0, 0], sizes = [2, 1984], strides = [1, 1]} : vector<2x2048xf32> to vector<2x1984xf32>
    %concatenate3A_920 = tpu.concatenate %broadcast_in_dim3A_918, %slice3A_919 in 1 : vector<2x64xf32>, vector<2x1984xf32> -> vector<2x2048xf32>
    %add3A_921 = arith.addf %add3A_916, %concatenate3A_920 : vector<2x2048xf32>
    %broadcast_in_dim3A_922 = arith.constant 0.000000e+00 : f32
    %broadcast_in_dim3A_923 = vector.broadcast %broadcast_in_dim3A_922 : f32 to vector<2x128xf32>
    %slice3A_924 = vector.extract_strided_slice %add3A_921 {offsets = [0, 0], sizes = [2, 1920], strides = [1, 1]} : vector<2x2048xf32> to vector<2x1920xf32>
    %concatenate3A_925 = tpu.concatenate %broadcast_in_dim3A_923, %slice3A_924 in 1 : vector<2x128xf32>, vector<2x1920xf32> -> vector<2x2048xf32>
    %add3A_926 = arith.addf %add3A_921, %concatenate3A_925 : vector<2x2048xf32>
    %broadcast_in_dim3A_927 = arith.constant 0.000000e+00 : f32
    %broadcast_in_dim3A_928 = vector.broadcast %broadcast_in_dim3A_927 : f32 to vector<2x256xf32>
    %slice3A_929 = vector.extract_strided_slice %add3A_926 {offsets = [0, 0], sizes = [2, 1792], strides = [1, 1]} : vector<2x2048xf32> to vector<2x1792xf32>
    %concatenate3A_930 = tpu.concatenate %broadcast_in_dim3A_928, %slice3A_929 in 1 : vector<2x256xf32>, vector<2x1792xf32> -> vector<2x2048xf32>
    %add3A_931 = arith.addf %add3A_926, %concatenate3A_930 : vector<2x2048xf32>
    %broadcast_in_dim3A_932 = arith.constant 0.000000e+00 : f32
    %broadcast_in_dim3A_933 = vector.broadcast %broadcast_in_dim3A_932 : f32 to vector<2x512xf32>
    %slice3A_934 = vector.extract_strided_slice %add3A_931 {offsets = [0, 0], sizes = [2, 1536], strides = [1, 1]} : vector<2x2048xf32> to vector<2x1536xf32>
    %concatenate3A_935 = tpu.concatenate %broadcast_in_dim3A_933, %slice3A_934 in 1 : vector<2x512xf32>, vector<2x1536xf32> -> vector<2x2048xf32>
    %add3A_936 = arith.addf %add3A_931, %concatenate3A_935 : vector<2x2048xf32>
    %broadcast_in_dim3A_937 = arith.constant 0.000000e+00 : f32
    %broadcast_in_dim3A_938 = vector.broadcast %broadcast_in_dim3A_937 : f32 to vector<2x1024xf32>
    %slice3A_939 = vector.extract_strided_slice %add3A_936 {offsets = [0, 0], sizes = [2, 1024], strides = [1, 1]} : vector<2x2048xf32> to vector<2x1024xf32>
    %concatenate3A_940 = tpu.concatenate %broadcast_in_dim3A_938, %slice3A_939 in 1 : vector<2x1024xf32>, vector<2x1024xf32> -> vector<2x2048xf32>
    %add3A_941 = arith.addf %add3A_936, %concatenate3A_940 : vector<2x2048xf32>
    %sub3A_942 = arith.subf %add3A_941, %convert_element_type3A_886 : vector<2x2048xf32>
    %iota3A_943 = tpu.iota {dimensions = array<i32: 0>} : vector<64x1xi32>
    %convert_element_type3A_944 = arith.sitofp %iota3A_943 : vector<64x1xi32> to vector<64x1xf32>
    %slice3A_945 = vector.extract_strided_slice %reshape3A {offsets = [0, 0], sizes = [2048, 64], strides = [1, 1]} : vector<2048x128xf32> to vector<2048x64xf32>
    %slice3A_946 = vector.extract_strided_slice %reshape3A_7 {offsets = [0, 0], sizes = [2048, 64], strides = [1, 1]} : vector<2048x128xf32> to vector<2048x64xf32>
    %slice3A_947 = vector.extract_strided_slice %reshape3A_12 {offsets = [0, 0], sizes = [2048, 64], strides = [1, 1]} : vector<2048x128xf32> to vector<2048x64xf32>
    %slice3A_948 = vector.extract_strided_slice %sub3A_942 {offsets = [0, 0], sizes = [1, 2048], strides = [1, 1]} : vector<2x2048xf32> to vector<1x2048xf32>
    %slice3A_949 = vector.extract_strided_slice %convert_element_type3A_886 {offsets = [0, 0], sizes = [1, 2048], strides = [1, 1]} : vector<2x2048xf32> to vector<1x2048xf32>
    %eq3A_950 = vector.broadcast %convert_element_type3A_944 : vector<64x1xf32> to vector<64x2048xf32>
    %eq3A_951 = vector.broadcast %slice3A_948 : vector<1x2048xf32> to vector<64x2048xf32>
    %eq3A_952 = arith.cmpf oeq, %eq3A_950, %eq3A_951 : vector<64x2048xf32>
    %gt3A_953 = arith.constant 0.000000e+00 : f32
    %gt3A_954 = vector.broadcast %gt3A_953 : f32 to vector<1x2048xf32>
    %gt3A_955 = arith.cmpf ogt, %slice3A_949, %gt3A_954 : vector<1x2048xf32>
    %and3A_956 = vector.broadcast %gt3A_955 : vector<1x2048xi1> to vector<64x2048xi1>
    %and3A_957 = arith.andi %eq3A_952, %and3A_956 : vector<64x2048xi1>
    %lt3A = arith.constant 4.000000e+01 : f32
    %lt3A_958 = vector.broadcast %lt3A : f32 to vector<1x2048xf32>
    %lt3A_959 = arith.cmpf olt, %slice3A_948, %lt3A_958 : vector<1x2048xf32>
    %and3A_960 = vector.broadcast %lt3A_959 : vector<1x2048xi1> to vector<64x2048xi1>
    %and3A_961 = arith.andi %and3A_957, %and3A_960 : vector<64x2048xi1>
    %convert_element_type3A_962 = arith.extui %and3A_961 : vector<64x2048xi1> to vector<64x2048xi32>
    %convert_element_type3A_963 = arith.sitofp %convert_element_type3A_962 : vector<64x2048xi32> to vector<64x2048xf32>
    %dot_general3A_964 = arith.constant dense<0.000000e+00> : vector<64x64xf32>
    %dot_general3A_965 = tpu.matmul %convert_element_type3A_963, %slice3A_945, %dot_general3A_964 {dimension_numbers = #tpu.dot_dimension_numbers<[1], [0], [0], [1], [0, 0, 1, 1], [], []>, precision = #tpu.contract_precision<fp32>, transpose_lhs_hint = false} : vector<64x2048xf32>, vector<2048x64xf32>, vector<64x64xf32> -> vector<64x64xf32>
    %dot_general3A_966 = arith.constant dense<0.000000e+00> : vector<64x2048xf32>
    %dot_general3A_967 = tpu.matmul %dot_general3A_965, %slice3A_946, %dot_general3A_966 {dimension_numbers = #tpu.dot_dimension_numbers<[1], [1], [0], [0], [0, 0, 1, 0], [], []>, precision = #tpu.contract_precision<fp32>, transpose_lhs_hint = false} : vector<64x64xf32>, vector<2048x64xf32>, vector<64x2048xf32> -> vector<64x2048xf32>
    %mul3A_968 = arith.constant 1.250000e-01 : f32
    %mul3A_969 = vector.broadcast %mul3A_968 : f32 to vector<64x2048xf32>
    %mul3A_970 = arith.mulf %dot_general3A_967, %mul3A_969 : vector<64x2048xf32>
    %reduce_max3A_971 = arith.constant dense<0xFF800000> : vector<64xf32>
    %reduce_max3A_972 = vector.multi_reduction <maximumf>, %mul3A_970, %reduce_max3A_971 [1] : vector<64x2048xf32> to vector<64xf32>
    %broadcast_in_dim3A_973 = vector.shape_cast %reduce_max3A_972 : vector<64xf32> to vector<64x1xf32>
    %sub3A_974 = vector.broadcast %broadcast_in_dim3A_973 : vector<64x1xf32> to vector<64x2048xf32>
    %sub3A_975 = arith.subf %mul3A_970, %sub3A_974 : vector<64x2048xf32>
    %exp3A = math.exp %sub3A_975 : vector<64x2048xf32>
    %reduce_sum3A_976 = arith.constant dense<0.000000e+00> : vector<64xf32>
    %reduce_sum3A_977 = vector.multi_reduction <add>, %exp3A, %reduce_sum3A_976 [1] : vector<64x2048xf32> to vector<64xf32>
    %broadcast_in_dim3A_978 = vector.shape_cast %reduce_sum3A_977 : vector<64xf32> to vector<64x1xf32>
    %div3A_979 = vector.broadcast %broadcast_in_dim3A_978 : vector<64x1xf32> to vector<64x2048xf32>
    %div3A_980 = arith.divf %exp3A, %div3A_979 : vector<64x2048xf32>
    %dot_general3A_981 = arith.constant dense<0.000000e+00> : vector<64x64xf32>
    %dot_general3A_982 = tpu.matmul %div3A_980, %slice3A_947, %dot_general3A_981 {dimension_numbers = #tpu.dot_dimension_numbers<[1], [0], [0], [1], [0, 0, 1, 1], [], []>, precision = #tpu.contract_precision<fp32>, transpose_lhs_hint = false} : vector<64x2048xf32>, vector<2048x64xf32>, vector<64x64xf32> -> vector<64x64xf32>
    %reduce_sum3A_983 = arith.constant dense<0.000000e+00> : vector<64xf32>
    %reduce_sum3A_984 = vector.multi_reduction <add>, %slice3A_947, %reduce_sum3A_983 [0] : vector<2048x64xf32> to vector<64xf32>
    %broadcast_in_dim3A_985 = vector.shape_cast %reduce_sum3A_984 : vector<64xf32> to vector<1x64xf32>
    %mul3A_986 = arith.constant 4.8828125E-4 : f32
    %mul3A_987 = vector.broadcast %mul3A_986 : f32 to vector<1x64xf32>
    %mul3A_988 = arith.mulf %broadcast_in_dim3A_985, %mul3A_987 : vector<1x64xf32>
    %sub3A_989 = vector.broadcast %mul3A_988 : vector<1x64xf32> to vector<64x64xf32>
    %sub3A_990 = arith.subf %dot_general3A_982, %sub3A_989 : vector<64x64xf32>
    %dot_general3A_991 = arith.constant dense<0.000000e+00> : vector<2048x64xf32>
    %dot_general3A_992 = tpu.matmul %convert_element_type3A_963, %sub3A_990, %dot_general3A_991 {dimension_numbers = #tpu.dot_dimension_numbers<[0], [0], [1], [1], [0, 1, 1, 1], [], []>, precision = #tpu.contract_precision<fp32>, transpose_lhs_hint = false} : vector<64x2048xf32>, vector<64x64xf32>, vector<2048x64xf32> -> vector<2048x64xf32>
    %add3A_993 = vector.broadcast %mul3A_988 : vector<1x64xf32> to vector<2048x64xf32>
    %add3A_994 = arith.addf %add3A_993, %dot_general3A_992 : vector<2048x64xf32>
    %slice3A_995 = vector.extract_strided_slice %reshape3A {offsets = [0, 64], sizes = [2048, 64], strides = [1, 1]} : vector<2048x128xf32> to vector<2048x64xf32>
    %slice3A_996 = vector.extract_strided_slice %reshape3A_7 {offsets = [0, 64], sizes = [2048, 64], strides = [1, 1]} : vector<2048x128xf32> to vector<2048x64xf32>
    %slice3A_997 = vector.extract_strided_slice %reshape3A_12 {offsets = [0, 64], sizes = [2048, 64], strides = [1, 1]} : vector<2048x128xf32> to vector<2048x64xf32>
    %slice3A_998 = vector.extract_strided_slice %sub3A_942 {offsets = [1, 0], sizes = [1, 2048], strides = [1, 1]} : vector<2x2048xf32> to vector<1x2048xf32>
    %slice3A_999 = vector.extract_strided_slice %convert_element_type3A_886 {offsets = [1, 0], sizes = [1, 2048], strides = [1, 1]} : vector<2x2048xf32> to vector<1x2048xf32>
    %eq3A_1000 = vector.broadcast %convert_element_type3A_944 : vector<64x1xf32> to vector<64x2048xf32>
    %eq3A_1001 = vector.broadcast %slice3A_998 : vector<1x2048xf32> to vector<64x2048xf32>
    %eq3A_1002 = arith.cmpf oeq, %eq3A_1000, %eq3A_1001 : vector<64x2048xf32>
    %gt3A_1003 = arith.constant 0.000000e+00 : f32
    %gt3A_1004 = vector.broadcast %gt3A_1003 : f32 to vector<1x2048xf32>
    %gt3A_1005 = arith.cmpf ogt, %slice3A_999, %gt3A_1004 : vector<1x2048xf32>
    %and3A_1006 = vector.broadcast %gt3A_1005 : vector<1x2048xi1> to vector<64x2048xi1>
    %and3A_1007 = arith.andi %eq3A_1002, %and3A_1006 : vector<64x2048xi1>
    %lt3A_1008 = arith.constant 4.000000e+01 : f32
    %lt3A_1009 = vector.broadcast %lt3A_1008 : f32 to vector<1x2048xf32>
    %lt3A_1010 = arith.cmpf olt, %slice3A_998, %lt3A_1009 : vector<1x2048xf32>
    %and3A_1011 = vector.broadcast %lt3A_1010 : vector<1x2048xi1> to vector<64x2048xi1>
    %and3A_1012 = arith.andi %and3A_1007, %and3A_1011 : vector<64x2048xi1>
    %convert_element_type3A_1013 = arith.extui %and3A_1012 : vector<64x2048xi1> to vector<64x2048xi32>
    %convert_element_type3A_1014 = arith.sitofp %convert_element_type3A_1013 : vector<64x2048xi32> to vector<64x2048xf32>
    %dot_general3A_1015 = arith.constant dense<0.000000e+00> : vector<64x64xf32>
    %dot_general3A_1016 = tpu.matmul %convert_element_type3A_1014, %slice3A_995, %dot_general3A_1015 {dimension_numbers = #tpu.dot_dimension_numbers<[1], [0], [0], [1], [0, 0, 1, 1], [], []>, precision = #tpu.contract_precision<fp32>, transpose_lhs_hint = false} : vector<64x2048xf32>, vector<2048x64xf32>, vector<64x64xf32> -> vector<64x64xf32>
    %dot_general3A_1017 = arith.constant dense<0.000000e+00> : vector<64x2048xf32>
    %dot_general3A_1018 = tpu.matmul %dot_general3A_1016, %slice3A_996, %dot_general3A_1017 {dimension_numbers = #tpu.dot_dimension_numbers<[1], [1], [0], [0], [0, 0, 1, 0], [], []>, precision = #tpu.contract_precision<fp32>, transpose_lhs_hint = false} : vector<64x64xf32>, vector<2048x64xf32>, vector<64x2048xf32> -> vector<64x2048xf32>
    %mul3A_1019 = arith.constant 1.250000e-01 : f32
    %mul3A_1020 = vector.broadcast %mul3A_1019 : f32 to vector<64x2048xf32>
    %mul3A_1021 = arith.mulf %dot_general3A_1018, %mul3A_1020 : vector<64x2048xf32>
    %reduce_max3A_1022 = arith.constant dense<0xFF800000> : vector<64xf32>
    %reduce_max3A_1023 = vector.multi_reduction <maximumf>, %mul3A_1021, %reduce_max3A_1022 [1] : vector<64x2048xf32> to vector<64xf32>
    %broadcast_in_dim3A_1024 = vector.shape_cast %reduce_max3A_1023 : vector<64xf32> to vector<64x1xf32>
    %sub3A_1025 = vector.broadcast %broadcast_in_dim3A_1024 : vector<64x1xf32> to vector<64x2048xf32>
    %sub3A_1026 = arith.subf %mul3A_1021, %sub3A_1025 : vector<64x2048xf32>
    %exp3A_1027 = math.exp %sub3A_1026 : vector<64x2048xf32>
    %reduce_sum3A_1028 = arith.constant dense<0.000000e+00> : vector<64xf32>
    %reduce_sum3A_1029 = vector.multi_reduction <add>, %exp3A_1027, %reduce_sum3A_1028 [1] : vector<64x2048xf32> to vector<64xf32>
    %broadcast_in_dim3A_1030 = vector.shape_cast %reduce_sum3A_1029 : vector<64xf32> to vector<64x1xf32>
    %div3A_1031 = vector.broadcast %broadcast_in_dim3A_1030 : vector<64x1xf32> to vector<64x2048xf32>
    %div3A_1032 = arith.divf %exp3A_1027, %div3A_1031 : vector<64x2048xf32>
    %dot_general3A_1033 = arith.constant dense<0.000000e+00> : vector<64x64xf32>
    %dot_general3A_1034 = tpu.matmul %div3A_1032, %slice3A_997, %dot_general3A_1033 {dimension_numbers = #tpu.dot_dimension_numbers<[1], [0], [0], [1], [0, 0, 1, 1], [], []>, precision = #tpu.contract_precision<fp32>, transpose_lhs_hint = false} : vector<64x2048xf32>, vector<2048x64xf32>, vector<64x64xf32> -> vector<64x64xf32>
    %reduce_sum3A_1035 = arith.constant dense<0.000000e+00> : vector<64xf32>
    %reduce_sum3A_1036 = vector.multi_reduction <add>, %slice3A_997, %reduce_sum3A_1035 [0] : vector<2048x64xf32> to vector<64xf32>
    %broadcast_in_dim3A_1037 = vector.shape_cast %reduce_sum3A_1036 : vector<64xf32> to vector<1x64xf32>
    %mul3A_1038 = arith.constant 4.8828125E-4 : f32
    %mul3A_1039 = vector.broadcast %mul3A_1038 : f32 to vector<1x64xf32>
    %mul3A_1040 = arith.mulf %broadcast_in_dim3A_1037, %mul3A_1039 : vector<1x64xf32>
    %sub3A_1041 = vector.broadcast %mul3A_1040 : vector<1x64xf32> to vector<64x64xf32>
    %sub3A_1042 = arith.subf %dot_general3A_1034, %sub3A_1041 : vector<64x64xf32>
    %dot_general3A_1043 = arith.constant dense<0.000000e+00> : vector<2048x64xf32>
    %dot_general3A_1044 = tpu.matmul %convert_element_type3A_1014, %sub3A_1042, %dot_general3A_1043 {dimension_numbers = #tpu.dot_dimension_numbers<[0], [0], [1], [1], [0, 1, 1, 1], [], []>, precision = #tpu.contract_precision<fp32>, transpose_lhs_hint = false} : vector<64x2048xf32>, vector<64x64xf32>, vector<2048x64xf32> -> vector<2048x64xf32>
    %add3A_1045 = vector.broadcast %mul3A_1040 : vector<1x64xf32> to vector<2048x64xf32>
    %add3A_1046 = arith.addf %add3A_1045, %dot_general3A_1044 : vector<2048x64xf32>
    %concatenate3A_1047 = tpu.concatenate %add3A_994, %add3A_1046 in 1 : vector<2048x64xf32>, vector<2048x64xf32> -> vector<2048x128xf32>
    %reshape3A_1048 = vector.shape_cast %concatenate3A_1047 : vector<2048x128xf32> to vector<1x2048x128xf32>
    %swap3A = arith.constant 0 : index
    %swap3A_1049 = arith.constant 0 : index
    %swap3A_1050 = arith.constant 0 : index
    %swap3A_1051 = vector.load %arg7[%swap3A, %swap3A_1049, %swap3A_1050] : memref<1x2048x128xf32, #tpu.memory_space<vmem>>, vector<1x2048x128xf32>
    tpu.vector_store %arg7[%swap3A, %swap3A_1049, %swap3A_1050], %reshape3A_1048 {strides = array<i32>} : memref<1x2048x128xf32, #tpu.memory_space<vmem>>, vector<1x2048x128xf32>,
    return
  }
  func.func @transform_0(%arg0: i32, %arg1: i32) -> (i32, i32, i32) {
    %c0_i32 = arith.constant 0 : i32
    %c0_i32_0 = arith.constant 0 : i32
    return %arg0, %c0_i32, %arg1 : i32, i32, i32
  }
  func.func @transform_1(%arg0: i32, %arg1: i32) -> (i32, i32, i32) {
    %c0_i32 = arith.constant 0 : i32
    %c0_i32_0 = arith.constant 0 : i32
    return %arg0, %c0_i32, %arg1 : i32, i32, i32
  }
  func.func @transform_2(%arg0: i32, %arg1: i32) -> (i32, i32, i32) {
    %c0_i32 = arith.constant 0 : i32
    %c0_i32_0 = arith.constant 0 : i32
    return %arg0, %c0_i32, %arg1 : i32, i32, i32
  }
  func.func @transform_3(%arg0: i32, %arg1: i32) -> (i32, i32) {
    %c0_i32 = arith.constant 0 : i32
    %c0_i32_0 = arith.constant 0 : i32
    %c0_i32_1 = arith.constant 0 : i32
    return %c0_i32, %c0_i32_0 : i32, i32
  }
  func.func @transform_4(%arg0: i32, %arg1: i32) -> (i32, i32) {
    %c0_i32 = arith.constant 0 : i32
    %c0_i32_0 = arith.constant 0 : i32
    %c0_i32_1 = arith.constant 0 : i32
    return %c0_i32, %c0_i32_0 : i32, i32
  }
  func.func @transform_5(%arg0: i32, %arg1: i32) -> (i32, i32, i32) {
    %c0_i32 = arith.constant 0 : i32
    %c0_i32_0 = arith.constant 0 : i32
    return %arg0, %c0_i32, %arg1 : i32, i32, i32
  }
}

</mosaic_0001>

<sc_bundles>
// kernel: scatter_offload_async_start
scs
__scs_entry_jumppad:
0x0: {  	(pc) =	sbr.rel $0x88, $3  }
0x1: {  	(tag) =	ssettag $0x0;
	lr =	simm.s32 $0x1  }
0x2: {  	[smem:$0x3F9E] =	sst lr;
	_ =	strace $0xD0000000  }
0x3: {  	_ = 	snop  }
0x4: {  	_ = 	snop  }
0x5: {  	_ = 	snop  }
0x6: {  	_ = 	snop  }
0x7: {  	_ = 	snop  }
__scs_overlays_trampoline_lowered:
0x8: {  	[smem:$0x3FAD] =	sst s0  }
0x9: {  	[smem:$0x3FAE] =	sst s1  }
0xa: {  	[smem:$0x3FAF] =	sst s2  }
0xb: {  	[smem:$0x3FB0] =	sst s3  }
0xc: {  	[smem:$0x3FB1] =	sst s4  }
0xd: {  	[smem:$0x3FB2] =	sst s5  }
0xe: {  	[smem:$0x3FB3] =	sst s6  }
0xf: {  	[smem:$0x3FB4] =	sst s7  }
0x10: {  	[smem:$0x3FB5] =	sst s8  }
0x11: {  	[smem:$0x3FB6] =	sst s9;
	s0 =	simm.s32 @!p0 $0x0  }
0x12: {  	s1 =	sld [smem:$0x3F9C];
	s0 =	simm.s32 @p0 $0x1  }
0x13: {  	[smem:$0x3FB7] =	sst s0;
	s0 =	simm.s32 @!p1 $0x0  }
0x14: {  	s2 =	sld [smem:$0x3F9B];
	s0 =	simm.s32 @p1 $0x1  }
0x15: {  	[smem:$0x3FB8] =	sst s0;
	s0 =	simm.s32 @!p2 $0x0  }
0x16: {  	s3 =	sld [smem:$0x3FDB];
	s0 =	simm.s32 @p2 $0x1  }
0x17: {  	s4 =	simm.s32 $0x1BF5;
	[smem:$0x3FBA] =	sst s0  }
0x18: {  	s0 =	sld [smem:$0x3F9D];
	_ =	swait.ge [sflag:s4], $0x0  }
0x19: {  	s7 =	sld [smem:$0x3F9E]  }
0x1a: {  	s8 =	sadd.s32 $0xFFFFE003, lr  }
0x1b: {  	s9 =	sadd.s32 $0xFFFFFEF7, lr;
	s5 =	simm.s32 $0xFFFFFFFF;
	p2 =	slt.u32 s8, $0xFFFFF086  }
0x1c: {  	p1 =	slt.u32 s9, $0xF7A;
	s5 =	simm.s32 @!p2 $0x0  }
0x1d: {  	s5 =	simm.s32 @p1 $0x1;
	p0 =	seq.s32 s7, s2  }
0x1e: {  	s7 =	smul.u32 @!p0 $0xF7A, s2;
	p2 =	seq.s32 @!p0 s5, $0x0  }
0x1f: {  	s9 =	smul.u32 $0xF7A, s1;
	s8 =	simm.s32 @!p0 $0x1BF5;
	p2 =	por !p2, p0  }
0x20: {  	[sflag:s8] =	ssyncset.s32 @!p0 $0xFFFFF086;
	s6 =	sadd.s32 @!p0 s3, s7;
	s7 =	simm.s32 @!p0 $0x108  }
0x21: {  	s3 =	sadd.s32 s3, s9;
	s6 =	sadd.s32 @!p0 $0x88, s6;
	s7 =	simm.s32 @p2 $0x1082  }
0x22: {  	[simem:s7], [sflag:s8] =	dma.local @!p0 [hbm:s6], $0xF7A  }
0x23: {  	s9 =	sor.u32 $0xD0000000, s2;
	s6 =	simm.s32 $0x108;
	_ =	swait.ge @!p0 [sflag:s8], $0x0  }
0x24: {  	s3 =	sadd.s32 $0x88, s3;
	s6 =	simm.s32 @!p1 $0x1082;
	[sflag:s4] =	ssyncset.s32 $0xFFFFF086  }
0x25: {  	[simem:s6], [sflag:s4] =	dma.local [hbm:s3], $0xF7A  }
0x26: {  	[smem:$0x3F9E] =	sst s1;
	(tag) =	ssettag s2;
	_ =	strace s9  }
0x27: {  	s1 =	sld [smem:$0x3FAE]  }
0x28: {  	s2 =	sld [smem:$0x3FAF]  }
0x29: {  	s4 =	sld [smem:$0x3FB1]  }
0x2a: {  	p0 =	seq.s32 s5, $0x0;
	s5 =	sld [smem:$0x3FB2]  }
0x2b: {  	s6 =	sld [smem:$0x3FB3]  }
0x2c: {  	s7 =	sld [smem:$0x3FB4]  }
0x2d: {  	s3 =	simm.s32 $0x108;
	s8 =	sld [smem:$0x3FB5]  }
0x2e: {  	s3 =	simm.s32 @!p0 $0x1082;
	s9 =	sld [smem:$0x3FB6]  }
0x2f: {  	lr =	sadd.s32 s0, s3;
	s0 =	sld [smem:$0x3FAD]  }
0x30: {  	s3 =	sld [smem:$0x3FB0]  }
0x31: {  	[smem:$0x3FB9] =	sst s10  }
0x32: {  	s10 =	sld [smem:$0x3FB7];
	_ =	sdelay $0x3  }
0x33: {  	p0 =	seq.s32 s10, $0x1;
	s10 =	sld [smem:$0x3FB9];
	_ =	sdelay $0x3  }
0x34: {  	[smem:$0x3FB9] =	sst s10  }
0x35: {  	s10 =	sld [smem:$0x3FB8];
	_ =	sdelay $0x3  }
0x36: {  	p1 =	seq.s32 s10, $0x1;
	s10 =	sld [smem:$0x3FB9];
	_ =	sdelay $0x3  }
0x37: {  	[smem:$0x3FB9] =	sst s10  }
0x38: {  	s10 =	sld [smem:$0x3FBA]  }
0x39: {  	_ = 	snop;
	(pc) =	sbr.ind lr, $3  }
0x3a: {  	_ = 	snop  }
0x3b: {  	_ = 	snop  }
0x3c: {  	p2 =	seq.s32 s10, $0x1;
	s10 =	sld [smem:$0x3FB9]  }
0x3d: {  	_ =	shalt  }
0x3e: {  	_ =	shalt  }
0x3f: {  	_ =	shalt  }
0x40: {  	_ =	shalt  }
0x41: {  	_ =	shalt  }
0x42: {  	_ =	shalt  }
0x43: {  	_ =	shalt  }
0x44: {  	_ =	shalt  }
0x45: {  	_ =	shalt  }
0x46: {  	_ =	shalt  }
0x47: {  	_ =	shalt  }
0x48: {  	_ =	shalt  }
0x49: {  	_ =	shalt  }
0x4a: {  	_ =	shalt  }
0x4b: {  	_ =	shalt  }
0x4c: {  	_ =	shalt  }
0x4d: {  	_ =	shalt  }
0x4e: {  	_ =	shalt  }
0x4f: {  	_ =	shalt  }
0x50: {  	_ =	shalt  }
0x51: {  	_ =	shalt  }
0x52: {  	_ =	shalt  }
0x53: {  	_ =	shalt  }
0x54: {  	_ =	shalt  }
0x55: {  	_ =	shalt  }
0x56: {  	_ =	shalt  }
0x57: {  	_ =	shalt  }
0x58: {  	_ =	shalt  }
0x59: {  	_ =	shalt  }
0x5a: {  	_ =	shalt  }
0x5b: {  	_ =	shalt  }
0x5c: {  	_ =	shalt  }
0x5d: {  	_ =	shalt  }
0x5e: {  	_ =	shalt  }
0x5f: {  	_ =	shalt  }
0x60: {  	_ =	shalt  }
0x61: {  	_ =	shalt  }
0x62: {  	_ =	shalt  }
0x63: {  	_ =	shalt  }
0x64: {  	_ =	shalt  }
0x65: {  	_ =	shalt  }
0x66: {  	_ =	shalt  }
0x67: {  	_ =	shalt  }
0x68: {  	_ =	shalt  }
0x69: {  	_ =	shalt  }
0x6a: {  	_ =	shalt  }
0x6b: {  	_ =	shalt  }
0x6c: {  	_ =	shalt  }
0x6d: {  	_ =	shalt  }
0x6e: {  	_ =	shalt  }
0x6f: {  	_ =	shalt  }
0x70: {  	_ =	shalt  }
0x71: {  	_ =	shalt  }
0x72: {  	_ =	shalt  }
0x73: {  	_ =	shalt  }
0x74: {  	_ =	shalt  }
0x75: {  	_ =	shalt  }
0x76: {  	_ =	shalt  }
0x77: {  	_ =	shalt  }
0x78: {  	_ =	shalt  }
0x79: {  	_ =	shalt  }
0x7a: {  	_ =	shalt  }
0x7b: {  	_ =	shalt  }
0x7c: {  	_ =	shalt  }
0x7d: {  	_ =	shalt  }
0x7e: {  	_ =	shalt  }
0x7f: {  	_ =	shalt  }
0x80: {  	_ =	shalt  }
0x81: {  	_ =	shalt  }
0x82: {  	_ =	shalt  }
0x83: {  	_ =	shalt  }
0x84: {  	_ =	shalt  }
0x85: {  	_ =	shalt  }
0x86: {  	_ =	shalt  }
0x87: {  	_ =	shalt  }
.Lfunc_end0:
.L_simem_size_0:
called_computation_lowered:
.L_overlay_start_0:
0x88: {  	s0 =	sld [smem:$0x3FD9]  }
0x89: {  	s1 =	sld [smem:$0x3FFE];
	_ =	sdelay $0x3  }
0x8a: {  	s0 =	sadd.s32 s1, s0  }
0x8b: {  	[smem:$0x3FC5] =	sst s0  }
0x8c: {  	_ = 	snop  }
0x8d: {  	(tm) =	ssettm $0x1  }
0x8e: {  	s15 =	sld [smem:$0x3FFB];
	_ =	sdelay $0x3  }
0x8f: {  	_ =	strace s15  }
0x90: {  	s0 =	sld [smem:$0x3FFC];
	_ =	sdelay $0x3  }
0x91: {  	_ =	strace s0  }
0x92: {  	s0 =	sld [smem:$0x3FFD];
	_ =	sdelay $0x3  }
0x93: {  	_ =	strace s0  }
0x94: {  	_ =	strace $0x8FFFFFFF  }
0x95: {  	s16 =	sld [smem:$0x3FDB];
	_ =	sdelay $0x1  }
0x96: {  	s17 =	simm.s32 $_scs_section_size  }
0x97: {  	s2 =	simm.s32 $_size__tile_overlayer_lowered;
	s3 =	simm.s32 $_tile_overlayer_lowered  }
0x98: {  	s20 =	simm.s32 $0x1BFF;
	s19 =	sshll.u32 s3, $0x1;
	s0 =	sadd.s32 s17, s16  }
0x99: {  	s4 =	simm.s32 $0x0;
	s18 =	sshll.u32 s2, $0x1;
	s2 =	sadd.s32 s19, s0  }
0x9a: {  	[timem:s4], [sflag:s20] =	dma.local [hbm:s2], s18  }
0x9b: {  	_ =	swait.ge [sflag:s20], s18  }
0x9c: {  	s1 =	ssub.s32 $0x0, s18;
	[sflag:s20] =	ssyncset.done $0x0  }
0x9d: {  	[sflag:s20] =	ssyncadd.s32 s1;
	_ =	sdelay $0x1  }
0x9e: {  	s21 =	simm.s32 $0x1B8B  }
0x9f: {  	_ =	swait.ge [sflag:s21], $0x1  }
0xa0: {  	[sflag:s21] =	ssyncset.done $0x0  }
0xa1: {  	s23 =	simm.s32 $0x1B8E;
	s22 =	sld [smem:$0x3FFE];
	[sflag:s21] =	ssyncadd.s32 $0xFFFFFFFF  }
0xa2: {  	s24 =	simm.s32 $execute0_lowered;
	[smem:$0x3FD2] =	sst s23  }
0xa3: {  	s2 =	sshll.u32 s24, $0x1;
	_ =	strace $0x80000046;
	[dreg:$0x1] =	wrdreg $0xFFFFFFFF  }
0xa4: {  	s25 =	simm.s32 $_size_execute0_lowered;
	s0 =	sadd.s32 s0, s2;
	[dreg:$0x0] =	wrdreg $0x0  }
0xa5: {  	s2 =	sshll.u32 s25, $0x1;
	[dreg:$0x2] =	wrdreg s0  }
0xa6: {  	[dreg:$0x3] =	wrdreg s2  }
0xa7: {  	[dreg:$0x4] =	wrdreg $0xC0  }
0xa8: {  	_ =	task [dreg:s4], $0x5FFFF  }
0xa9: {  	[dreg:$0x1] =	wrdreg $0xFFFFFFFF  }
0xaa: {  	[dreg:$0x0] =	wrdreg $0x60  }
0xab: {  	[dreg:$0x2] =	wrdreg s22  }
0xac: {  	[dreg:$0x3] =	wrdreg $0x9  }
0xad: {  	_ =	task.clear_ibuf [dreg:s4], $0x4FFFF;
	_ =	strace $0x90000046  }
0xae: {  	s26 =	simm.s32 $0x9;
	_ =	strace $0x80000048  }
0xaf: {  	_ =	swait.ge [sflag:s26], $0x1  }
0xb0: {  	[sflag:s26] =	ssyncadd.s32 $0xFFFFFFFF  }
0xb1: {  	_ =	strace $0x90000048  }
0xb2: {  	_ =	sfence  }
0xb3: {  	s28 =	sld [smem:$0x0];
	_ =	sdelay $0x1  }
0xb4: {  	s29 =	srdreg.scid  }
0xb5: {  	s30 =	sshll.u32 s29, $0xD;
	s31 =	sshrl.u32 s29, $0x2  }
0xb6: {  	s1 =	sand.u32 $0x1, s29;
	s2 =	sand.u32 $0x4000, s30;
	s0 =	sadd.s32 s31, s28  }
0xb7: {  	s1 =	sor.u32 s2, s1;
	s0 =	sshll.u32 s0, $0x11  }
0xb8: {  	s0 =	sor.u32 s0, s1  }
0xb9: {  	s0 =	sadd.s32 $0x8F2B, s0  }
0xba: {  	[sflag:s0] =	ssyncadd.remote.s32 $0x1  }
0xbb: {  	_ =	sfence.sel $0xFFFF  }
0xbc: {  	[dreg:$0x0] =	wrdreg $0xFFFFFFFF;
	(pc) =	sbr.abs _section_cstart, $3  }
0xbd: {  	[dreg:$0x1] =	wrdreg $0xFFFFFFFF  }
0xbe: {  	_ =	task.clear_ibuf [dreg:s4], $0x2FFFF;
	_ =	strace $0x9FFFFFFF  }
0xbf: {  	(tm) =	ssettm $0x7FFFFFFF  }
tec
execute0_lowered:
.L_overlay_start_1:
0x0: {  	(tag) =	ssettag $0x1  }
0x1: {  	s0 =	rddreg [dreg:$0x0];
	_ =	strace $0x80000047;
	s3 =	simm.s32 $0x1  }
0x2: {  	v1 =	vimm.s32 $0xFFFFFFFF;
	[sflag:s3] =	ssyncpa.u1 $0x0  }
0x3: {  	[tilespmem:$0x10] =	vst v1  }
0x4: {  	v0 =	vimm.s32 $0x0;
	[tilespmem:$0x20] =	vst v1  }
0x5: {  	[tilespmem:$0x30] =	vst v0  }
0x6: {  	s2 =	simm.s32 $0x2;
	s26 =	stileid.u32;
	s5 =	simm.s32 $0x7;
	[tilespmem:$0x40] =	vst v0  }
0x7: {  	s7 =	simm.s32 $0x8;
	s31 =	simm.s32 $0x9;
	s14 =	simm.s32 $0x0;
	[tilespmem:$0x50] =	vst v0  }
0x8: {  	s15 =	simm.s32 $0x100;
	s18 =	simm.s32 $0x10;
	s19 =	simm.s32 $0xB500;
	[tilespmem:$0x60] =	vst v1  }
0x9: {  	s20 =	simm.s32 $0xF;
	s21 =	simm.s32 $0x50;
	s22 =	simm.s32 $0x50FF;
	[tilespmem:$0x70] =	vst v1  }
0xa: {  	s23 =	simm.s32 $0x20;
	s24 =	simm.s32 $0x30;
	s25 =	simm.s32 $0xA0FF;
	[tilespmem:$0x80] =	vst v1  }
0xb: {  	s30 =	simm.s32 $0x0;
	s29 =	simm.s32 $0x0;
	s6 =	smul.u32 $0x1400, s26;
	[tilespmem:$0x90] =	vst v0  }
.Ltmp0:
0xc: {  	s1 =	sadd.s32 $0x105000, s0;
	s4 =	sadd.s32 $0x100000, s0;
	[tilespmem:$0xA0] =	vst v0;
	(pc) =	sbr.rel .LBB2_1-.Ltmp0, $4  }
0xd: {  	s8 =	sadd.s32 $0x102800, s0;
	s10 =	sshll.u32 s26, $0x1;
	[tilespmem:$0xB0] =	vst v0;
	[sflag:s2] =	ssyncpa.u1 $0x0  }
0xe: {  	s12 =	sshllo.u32 s26, $0x1;
	s26 =	simm.s32 $0x80;
	[sflag:s5] =	ssyncpa.u1 $0x0  }
0xf: {  	vm0 =	vmmov $0xffff;
	vm1 =	vmxor vm1, vm1;
	s11 =	sor.u32 $0x81, s10;
	s13 =	sor.u32 $0x80, s10;
	[sflag:s7] =	ssyncpa.u1 $0x0  }
0x10: {  	vm2 =	vmmov $0x1;
	vm3 =	vcmask $0x3F3C;
	v1 =	vlaneseq.u32;
	s9 =	sadd.s32 $0x1400, s6;
	s28 =	smov.u32 s6;
	[sflag:s31] =	ssyncpa.u1 $0x0  }
.LBB2_3:
0x11: {  	s0 =	sshrl.u32 s28, $0x3  }
0x12: {  	s2 =	sand.u32 $0x7, s28;
	s0 =	sadd.s32 s4, s0  }
0x13: {  	[tilespmem:s15], [sflag:$0x7] =	stream.linear.gather [hbm4b:s0+s2], $0x1400, $0x38;
	[tilespmem:$0xB520] =	vst v63  }
.LBB2_4:
0x14: {  	s0 =	sadd.s32 $0x1400, s28  }
0x15: {  	s2 =	smov.u32 s6;
	s29 =	sadd.s32 $0x1, s29;
	p0 =	slt.s32 s0, s9  }
0x16: {  	s2 =	smov.u32 @p0 s0;
	p0 =	sne.s32 s29, $0x4  }
.Ltmp1:
0x17: {  	_ = 	snop;
	(pc) =	sbr.rel @!p0 .LBB2_13-.Ltmp1, $2  }
0x18: {  	_ =	sdelay $0x2  }
0x19: {  	s30 =	smov.u32 s28;
	s28 =	smov.u32 s2  }
.LBB2_1:
0x1a: {  	p0 =	sgt.s32 s29, $0x1  }
.Ltmp2:
0x1b: {  	_ = 	snop;
	(pc) =	sbr.rel @p0 .LBB2_11-.Ltmp2, $1  }
0x1c: {  	_ =	sdelay $0x3  }
0x1d: {  	p0 =	seq.s32 s29, $0x0  }
.Ltmp3:
0x1e: {  	_ = 	snop;
	(pc) =	sbr.rel @p0 .LBB2_3-.Ltmp3, $1  }
0x1f: {  	_ =	sdelay $0x3  }
0x20: {  	_ =	swait.ge [sflag:s5], $0x1400  }
0x21: {  	[sflag:s5] =	ssyncset.done $0x0  }
0x22: {  	[sflag:s5] =	ssyncadd.s32 $0xFFFFEC00;
	(ifvalue) =	ssetifvalue $0xFFFFFFFF;
	v2 =	vld.msk [tilespmem:s15+$0x0 ss:$0x1], $0xffff;
	_ =	sdelay $0x4  }
0x23: {  	v3 =	vperm.xlane v2, v0  }
0x24: {  	vm4 =	vlt.u32 v2, $0x400000  }
0x25: {  	v2 =	vnsel vm4, $0xFFFFFFFE, v2;
	vm4 =	vlt.u32 v3, $0x400000  }
0x26: {  	[tilespmem:$0x70] =	vst v2;
	v2 =	vnsel vm4, $0xFFFFFFFE, v3  }
0x27: {  	s16 =	simm.s32 $0x14F0;
	[tilespmem:$0x80] =	vst v2  }
0x28: {  	v2 =	vld.msk [tilespmem:s16+$0x0 ss:$0x1], $0xffff;
	_ =	sdelay $0x4  }
0x29: {  	(xrf1) =	vunique.msk.u32 $0xffff, v2;
	_ =	sdelay $0xd  }
0x2a: {  	v3 =	vimm.s32 $0xFFFFFFFF;
	v4, _, _ =	vpop (xrf1)  }
0x2b: {  	vm5 =	vne.s32 v2, v3;
	vm4 =	veq.s32 v4, v1  }
0x2c: {  	vm6 =	vlt.u32 v2, $0x400000;
	vm4 =	vmand vm5, vm4  }
0x2d: {  	vm4 =	vmand vm6, vm4  }
0x2e: {  	v3 =	vnsel vm4, $0xFFFFFFFF, v2;
	_ =	sdelay $0x3  }
0x2f: {  	s0 =	simm.s32 $0x50F0;
	(ifvalue) =	ssetifvalue $0xFFFFFFFF  }
0x30: {  	v2 =	vperm.xlane v2, v0;
	[tilespmem:s0], [sflag:$0x8] =	stream.indirect_vreg.gather [hbm4b:s1+s14], $0x1, v3, vm0, $0x4038;
	v3 =	vnsel vm6, $0xFFFFFFFE, v3;
	[tilespmem:$0xB520] =	vst v63  }
0x31: {  	s2 =	simm.s32 $0x0;
	s31 =	simm.s32 $0x14E0;
	[tilespmem:s16+$0x0] =	vst v3  }
.LBB2_6:
0x32: {  	v3 =	vld.msk [tilespmem:s31+$0x0 ss:$0x1], $0xffff;
	s2 =	sadd.s32 $0x10, s2;
	v4 =	vmov v2;
	s16 =	smov.u32 s31  }
0x33: {  	p0 =	slt.u32 s2, $0x13F0;
	_ =	sdelay $0x4  }
0x34: {  	v2 =	vperm.xlane v3, v0;
	(xrf1) =	vunique.msk.u32 $0xffff, v3;
	_ =	sdelay $0xd  }
0x35: {  	v5, _, _ =	vpop (xrf1)  }
0x36: {  	vm5 =	vne.s32 v3, v4;
	vm4 =	veq.s32 v5, v1  }
0x37: {  	vm6 =	vlt.u32 v3, $0x400000;
	vm4 =	vmand vm5, vm4  }
0x38: {  	vm4 =	vmand vm6, vm4  }
0x39: {  	v3 =	vnsel vm4, $0xFFFFFFFF, v3  }
.Ltmp4:
0x3a: {  	v4 =	vnsel vm6, $0xFFFFFFFE, v3;
	(pc) =	sbr.rel @p0 .LBB2_6-.Ltmp4, $3  }
0x3b: {  	_ =	sdelay $0x1  }
0x3c: {  	s31 =	sadd.s32 $0xFFFFFFF0, s31;
	s0 =	sadd.s32 $0xFFFFFFF0, s0;
	(ifvalue) =	ssetifvalue $0xFFFFFFFF  }
0x3d: {  	[tilespmem:s0], [sflag:$0x8] =	stream.indirect_vreg.gather [hbm4b:s1+s14], $0x1, v3, vm0, $0x4038;
	[tilespmem:s16+$0x0] =	vst v4  }
.Ltmp5:
0x3e: {  	(pc) =	sbr.rel .LBB2_4-.Ltmp5, $4  }
0x3f: {  	_ = 	snop  }
0x40: {  	s0 =	sshrl.u32 s30, $0x3  }
0x41: {  	s2 =	simm.s32 $0x6500;
	s0 =	sadd.s32 s8, s0  }
0x42: {  	[tilespmem:s2], [sflag:$0x8] =	stream.linear.gather [hbm:s0], $0x1400, $0x38;
	[tilespmem:$0xB520] =	vst v63  }
.LBB2_11:
0x43: {  	p0 =	seq.s32 s29, $0x2  }
.Ltmp6:
0x44: {  	_ = 	snop;
	(pc) =	sbr.rel @!p0 .LBB2_12-.Ltmp6, $1  }
0x45: {  	_ =	sdelay $0x3  }
0x46: {  	_ =	swait.ge [sflag:s7], $0x2800  }
0x47: {  	[sflag:s7] =	ssyncset.done $0x0  }
0x48: {  	s0 =	simm.s32 $0x14FF;
	[sflag:s7] =	ssyncadd.s32 $0xFFFFD800  }
0x49: {  	[spmem:s11] =	stream.linear.scatter [tilespmem:s0], [sflag:$0x1], $0x1, $0x38;
	[tilespmem:$0xB520] =	vst v63  }
0x4a: {  	_ =	swait.ge [sflag:s3], $0x1  }
0x4b: {  	[sflag:s3] =	ssyncset.done $0x0  }
0x4c: {  	[sflag:s3] =	ssyncadd.s32 $0xFFFFFFFF  }
0x4d: {  	v3 =	vld [tilespmem:$0x10]  }
0x4e: {  	v4 =	vld [tilespmem:$0x70]  }
0x4f: {  	v2 =	vld [tilespmem:$0x80];
	_ =	sdelay $0x2  }
0x50: {  	(v2sf) =	vpush v3, $0x0  }
0x51: {  	(v2sf) =	vpush v4, $0x0  }
0x52: {  	(v2sf) =	vpush v2, $0x0;
	_ =	sdelay $0xc  }
0x53: {  	s16 =	spop (v2sf)  }
0x54: {  	s2 =	spop (v2sf)  }
0x55: {  	s30 =	spop (v2sf)  }
0x56: {  	p0 =	seq.s32 s16, s2;
	p1 =	seq.s32 s30, s16  }
0x57: {  	p1 =	por p0, p1  }
0x58: {  	v3 =	vpsel p1, $0xFFFFFFFF, v3  }
0x59: {  	[tilespmem:s18+$0x0] =	vst.msk $0x1, v3  }
0x5a: {  	v3 =	vld [tilespmem:$0x30]  }
0x5b: {  	v4 =	vld [tilespmem:$0x6500]  }
0x5c: {  	v5 =	vld [tilespmem:$0x40];
	_ =	sdelay $0x2  }
0x5d: {  	vm4 =	vmmov vm1  }
0x5e: {  	vm5 =	vmmov vm2;
	s31 =	simm.s32 $0x6500;
	vm4 =	vmmov @p0 vm2;
	v4 =	vadd.s32 v3, v4  }
0x5f: {  	vm5 =	vmmov @p1 vm1;
	v3 =	vadd.s32 v3, v5;
	[tilespmem:s31+$0x0] =	vst.msk vm4, v4  }
0x60: {  	[tilespmem:s19+$0x0] =	vst.msk vm5, v3  }
0x61: {  	v3 =	vld [tilespmem:$0x50F0];
	_ =	sdelay $0x3  }
0x62: {  	v4 =	vimm.s32 $0x0  }
0x63: {  	v3 =	vshift.insert v3, v4, s20;
	_ =	sdelay $0x1  }
0x64: {  	[tilespmem:s21+$0x0] =	vst.msk $0x1, v3  }
0x65: {  	[tilespmem:s22+$0x0] =	vst.msk $0x1, v4  }
0x66: {  	v3 =	vld [tilespmem:$0x14F0];
	_ =	sdelay $0x4  }
0x67: {  	v3 =	vshift.insert v3, v4, s20;
	_ =	sdelay $0x1  }
0x68: {  	s17 =	simm.s32 $0x100;
	[tilespmem:s23+$0x0] =	vst.msk $0x1, v3  }
0x69: {  	v5 =	vld [tilespmem:s17+$0x0]  }
0x6a: {  	v6 =	vld [tilespmem:s31+$0x0];
	_ =	sdelay $0x4  }
0x6b: {  	vm4 =	vne.s32 v5, $0xFFFFFFFF;
	v6 =	vadd.s32 v4, v6;
	v4 =	vperm.xlane v3, v4  }
0x6c: {  	s0 =	simm.s32 $0x3D00;
	(xrf0) =	vadd.seg.scan.s32 vm4, v6  }
0x6d: {  	vm5 =	veq.s32 v5, v2;
	v6 =	vld [tilespmem:s0+$0x0];
	vm6 =	veq.s32 v5, v4  }
0x6e: {  	vm7 =	vgt.u32 v5, $0xFFFFFFFD;
	vm6 =	vmor vm6, vm5  }
0x6f: {  	v7 =	vld [tilespmem:$0xA0];
	vm6 =	vmor vm6, vm7  }
0x70: {  	v9 =	vld [tilespmem:$0x90];
	v5 =	vsel vm6, $0xFFFFFFFF, v5;
	_ =	sdelay $0x1  }
0x71: {  	v6 =	vsel vm5, $0x0, v6;
	v8, _, _ =	vpop (xrf0)  }
0x72: {  	s2 =	simm.s32 $0x8D00;
	vm4 =	vmand vm4, vm3;
	v6 =	vadd.s32 v6, v8  }
0x73: {  	s16 =	simm.s32 $0x0;
	s17 =	simm.s32 $0x110;
	vm6 =	veq.s32 v7, $0x1;
	[tilespmem:s2+$0x0] =	vst v6;
	(ifvalue) =	ssetifvalue $0xFFFFFFFF;
	v6 =	vsel vm4, $0x0, v8  }
0x74: {  	vm4 =	vmor vm6, vm5;
	[hbm4b:s1+s14] =	stream.indirect_vreg.scatter [tilespmem:s2], [sflag:$0x2], $0x1, v5, vm0, $0x4038;
	v5 =	vsel vm5, v8, v9;
	v6 =	vshift.insert v6, v0, s20;
	[tilespmem:$0xB520] =	vst v63  }
.LBB2_9:
0x75: {  	v7 =	vld [tilespmem:s17+$0x0];
	s31 =	sadd.s32 $0x10, s31  }
0x76: {  	s0 =	sadd.s32 $0x10, s0;
	v8 =	vld [tilespmem:s31+$0x0]  }
0x77: {  	s16 =	sadd.s32 $0x10, s16;
	v9 =	vld [tilespmem:s0+$0x0]  }
0x78: {  	p0 =	slt.u32 s16, $0x13F0;
	_ =	sdelay $0x2  }
0x79: {  	vm5 =	vne.s32 v7, $0xFFFFFFFF;
	v6 =	vadd.s32 v6, v8  }
0x7a: {  	vm6 =	vmand vm5, vm3;
	(xrf0) =	vadd.seg.scan.s32 vm5, v6  }
0x7b: {  	vm7 =	veq.s32 v7, v4;
	vm5 =	veq.s32 v7, v2  }
0x7c: {  	vm8 =	vgt.u32 v7, $0xFFFFFFFD;
	vm4 =	vmor vm4, vm5;
	vm7 =	vmor vm7, vm5  }
0x7d: {  	vm7 =	vmor vm7, vm8  }
0x7e: {  	v7 =	vsel vm7, $0xFFFFFFFF, v7  }
.Ltmp7:
0x7f: {  	(pc) =	sbr.rel @p0 .LBB2_9-.Ltmp7, $4  }
0x80: {  	v6 =	vsel vm5, $0x0, v9;
	v8, _, _ =	vpop (xrf0)  }
0x81: {  	s2 =	sadd.s32 $0x10, s2;
	v5 =	vsel vm5, v8, v5;
	v6 =	vadd.s32 v6, v8;
	v8 =	vsel vm6, $0x0, v8  }
0x82: {  	s17 =	sadd.s32 $0x10, s17;
	[tilespmem:s2+$0x0] =	vst v6;
	v6 =	vshift.insert v8, v0, s20;
	(ifvalue) =	ssetifvalue $0xFFFFFFFF  }
0x83: {  	[hbm4b:s1+s14] =	stream.indirect_vreg.scatter [tilespmem:s2], [sflag:$0x2], $0x1, v7, vm0, $0x4038;
	[tilespmem:$0xB520] =	vst v63  }
0x84: {  	v2 =	vld [tilespmem:$0xA0F0];
	_ =	sdelay $0x4  }
0x85: {  	v2 =	vshift.insert v2, v0, s20;
	_ =	sdelay $0x1  }
0x86: {  	[tilespmem:s24+$0x0] =	vst.msk $0x1, v2  }
0x87: {  	v2 =	vsel vm4, $0x1, v0;
	[tilespmem:$0x90] =	vst v5  }
0x88: {  	[tilespmem:$0xA0] =	vst v2  }
0x89: {  	[spmem:s12] =	stream.linear.scatter [tilespmem:s25], [sflag:$0x1], $0x1, $0x38;
	[tilespmem:$0xB520] =	vst v63  }
0x8a: {  	v2 =	vmctz.xlane vm4;
	_ =	swait.ge [sflag:s3], $0x1  }
0x8b: {  	(v2sf) =	vpush v3, $0x0  }
0x8c: {  	(v2sf) =	vpush v2, $0x0;
	_ =	sdelay $0xd  }
0x8d: {  	s0 =	spop (v2sf)  }
0x8e: {  	s2 =	spop (v2sf)  }
0x8f: {  	[sflag:s3] =	ssyncset.done $0x0;
	p0 =	sne.s32 s30, s0;
	p1 =	slt.s32 s2, $0xF  }
0x90: {  	[sflag:s3] =	ssyncadd.s32 $0xFFFFFFFF;
	v2 =	vimm.s32 @!p0 $0xFFFFFFFF;
	s2 =	simm.s32 @!p1 $0xF  }
0x91: {  	[tilespmem:$0x80] =	vst @!p0 v2;
	s31 =	sadd.s32 $0x90, s2  }
0x92: {  	[spmem:s10] =	stream.linear.scatter [tilespmem:s31], [sflag:$0x1], $0x1, $0x38;
	[tilespmem:$0xB520] =	vst v63  }
0x93: {  	_ =	swait.ge [sflag:s3], $0x1  }
0x94: {  	[sflag:s3] =	ssyncset.done $0x0  }
0x95: {  	[sflag:s3] =	ssyncadd.s32 $0xFFFFFFFF  }
0x96: {  	[spmem:s13] =	stream.linear.scatter [tilespmem:s26], [sflag:$0x1], $0x1, $0x38;
	[tilespmem:$0xB520] =	vst v63  }
0x97: {  	_ =	swait.ge [sflag:s3], $0x1  }
0x98: {  	[sflag:s3] =	ssyncset.done $0x0  }
0x99: {  	[sflag:s3] =	ssyncadd.s32 $0xFFFFFFFF;
	(ifvalue) =	ssetifvalue $0xFFFFFFFF;
	v2 =	vld [tilespmem:$0x10];
	_ =	sdelay $0x3  }
.Ltmp8:
0x9a: {  	_ = 	snop;
	(pc) =	sbr.rel .LBB2_4-.Ltmp8, $3  }
0x9b: {  	_ =	sdelay $0x1  }
0x9c: {  	(ifvalue) =	ssetifvalue $0xFFFFFFFF  }
0x9d: {  	[hbm4b:s1+s14] =	stream.indirect_vreg.scatter [tilespmem:s19], [sflag:$0x9], $0x1, v2, vm0, $0x4038;
	[tilespmem:$0xB520] =	vst v63  }
.LBB2_12:
0x9e: {  	s0 =	simm.s32 $0x2  }
0x9f: {  	_ =	swait.ge [sflag:s0], $0x1400  }
0xa0: {  	[sflag:s0] =	ssyncset.done $0x0  }
0xa1: {  	s31 =	simm.s32 $0x9;
	[sflag:s0] =	ssyncadd.s32 $0xFFFFEC00  }
0xa2: {  	_ =	swait.ge [sflag:s31], $0x10  }
0xa3: {  	[sflag:s31] =	ssyncset.done $0x0  }
0xa4: {  	[sflag:s31] =	ssyncadd.s32 $0xFFFFFFF0  }
.LBB2_13:
0xa5: {  	_ =	sfence.sel $0x180000  }
0xa6: {  	s0 =	simm.s32 $0x7;
	[bflag:$0x0] =	sbarrier.arrive $0xFFFF  }
0xa7: {  	s26 =	simm.s32 $0x8;
	[sflag:s0] =	ssyncpa.u1 $0x1  }
0xa8: {  	s28 =	simm.s32 $0x9;
	[sflag:s26] =	ssyncpa.u1 $0x1  }
0xa9: {  	[sflag:s28] =	ssyncpa.u1 $0x1  }
0xaa: {  	_ =	sfence.stream.spmem  }
0xab: {  	s29 =	simm.s32 $0x3;
	[bflag:$0x0] =	sbarrier.arrive $0xFFFF  }
0xac: {  	s30 =	simm.s32 $0x4;
	[sflag:s29] =	ssyncpa.u1 $0x1  }
0xad: {  	s31 =	simm.s32 $0x3C;
	s2 =	stileid.u32;
	[sflag:s30] =	ssyncpa.u1 $0x1  }
0xae: {  	p0 =	sne.s32 s2, $0x0;
	[sflag:s31] =	ssyncpa.u1 $0x1  }
0xaf: {  	s0 =	simm.s32 @p0 $0x1;
	_ =	sfence @p0  }
0xb0: {  	[sflag:s0] =	ssyncpa.u1 @p0 $0x1;
	s0 =	simm.s32 @p0 $0x2  }
0xb1: {  	[sflag:s0] =	ssyncpa.u1 @p0 $0x1  }
0xb2: {  	_ =	strace @p0 $0x90000047  }
0xb3: {  	[bflag:$0x2] =	sbarrier.arrive @p0 $0xFFFF  }
0xb4: {  	_ =	shalt @p0  }
.LBB2_14:
0xb5: {  	_ =	sfence.stream.spmem;
	s0 =	simm.s32 $0x5  }
0xb6: {  	s2 =	simm.s32 $0x80;
	s3 =	simm.s32 $0xC0;
	[sflag:s0] =	ssyncpa.u1 $0x0  }
0xb7: {  	[tilespmem:s3], [sflag:$0x5] =	stream.linear.gather [spmem:s2], $0x20, $0x38;
	[tilespmem:$0xB520] =	vst v63  }
0xb8: {  	s2 =	simm.s32 $0x0;
	s3 =	simm.s32 $0xE0  }
0xb9: {  	[tilespmem:s3], [sflag:$0x5] =	stream.linear.gather [spmem:s2], $0x20, $0x38;
	[tilespmem:$0xB520] =	vst v63  }
.Ltmp9:
0xba: {  	_ = 	snop;
	(pc) =	sbr.rel .LBB2_15-.Ltmp9, $4  }
0xbb: {  	_ =	swait.ge [sflag:s0], $0x40  }
0xbc: {  	[sflag:s0] =	ssyncset.done $0x0  }
0xbd: {  	s31 =	simm.s32 $0x6;
	[sflag:s0] =	ssyncadd.s32 $0xFFFFFFC0  }
0xbe: {  	s4 =	simm.s32 $0x0;
	[sflag:s31] =	ssyncpa.u1 $0x0  }
.LBB2_20:
0xbf: {  	p0 =	sgt.u32 s0, $0x3FFFFF  }
0xc0: {  	s5 =	sshrl.u32 @!p0 s0, $0x3  }
0xc1: {  	s0 =	sand.u32 @!p0 $0x7, s0;
	s6 =	simm.s32 @!p0 $0xB0;
	s5 =	sadd.s32 @!p0 s1, s5  }
0xc2: {  	[tilespmem:s6], [sflag:$0x6] =	stream.linear.gather @!p0 [hbm4b:s5+s0], $0x1, $0x38;
	[tilespmem:$0xB520] =	vst v63  }
0xc3: {  	s0 =	simm.s32 @!p0 $0x6  }
0xc4: {  	_ =	swait.ge @!p0 [sflag:s0], $0x1  }
0xc5: {  	[sflag:s0] =	ssyncset.done @!p0 $0x0  }
0xc6: {  	[sflag:s0] =	ssyncadd.s32 @!p0 $0xFFFFFFFF  }
0xc7: {  	v2 =	vmov @!p0 s4;
	v1 =	vld.msk @!p0 [tilespmem:$0xB0], $0x1;
	_ =	sdelay $0x3  }
0xc8: {  	s0 =	simm.s32 @!p0 $0xE0  }
0xc9: {  	[tilespmem:v2+s0+$0x0], v1 =	vst.idx.ret.add.s32.msk @!p0 $0x1, v1  }
0xca: {  	[tilespmem:s2+$0xC0] =	vst.msk $0x1, v0  }
0xcb: {  	v0 =	vld.msk [tilespmem:s4+$0xE0], $0x1;
	_ =	sdelay $0x4  }
0xcc: {  	[tilespmem:s2+$0xE0] =	vst.msk $0x1, v0;
	s2 =	sadd.s32 $0x1, s2  }
.LBB2_22:
0xcd: {  	s4 =	sadd.s32 $0x1, s4  }
0xce: {  	p0 =	sne.s32 s4, $0x20  }
.Ltmp10:
0xcf: {  	_ = 	snop;
	(pc) =	sbr.rel @!p0 .LBB2_23-.Ltmp10, $1  }
0xd0: {  	_ =	sdelay $0x3  }
.LBB2_15:
0xd1: {  	v0 =	vld.msk [tilespmem:s4+$0xC0], $0x1;
	_ =	sdelay $0x4  }
0xd2: {  	(v2sf) =	vpush v0, $0x0;
	_ =	sdelay $0xe  }
0xd3: {  	s0 =	spop (v2sf)  }
0xd4: {  	p0 =	seq.s32 s0, $0xFFFFFFFF  }
.Ltmp11:
0xd5: {  	_ = 	snop;
	(pc) =	sbr.rel @p0 .LBB2_22-.Ltmp11, $1  }
0xd6: {  	_ =	sdelay $0x3  }
0xd7: {  	p0 =	slt.s32 s2, $0x1  }
.Ltmp12:
0xd8: {  	_ = 	snop;
	(pc) =	sbr.rel @p0 .LBB2_20-.Ltmp12, $1  }
0xd9: {  	_ =	sdelay $0x3  }
0xda: {  	s5 =	simm.s32 $0xC0;
	p0 =	por $0x0, $0x0  }
0xdb: {  	v1 =	vld.msk @!p0 [tilespmem:s5+$0x0], $0x1;
	_ =	sdelay $0x4  }
0xdc: {  	(v2sf) =	vpush @!p0 v1, $0x0;
	_ =	sdelay $0xd  }
0xdd: {  	p2 =	sne.s32 s2, $0x1  }
.Ltmp13:
0xde: {  	s6 =	spop @!p0 (v2sf);
	(pc) =	sbr.rel @!p2 .LBB2_19-.Ltmp13, $4  }
0xdf: {  	p1 =	seq.s32 @!p0 s0, s6  }
0xe0: {  	s6 =	simm.s32 $0x0;
	p1 =	por !p1, p0  }
0xe1: {  	s8 =	simm.s32 $0xFFFFFFFF;
	s6 =	simm.s32 @p1 $0xFFFFFFFF  }
0xe2: {  	s7 =	simm.s32 $0x1;
	s6 =	smov.u32 @p0 s8  }
.LBB2_18:
0xe3: {  	s8 =	smov.u32 s6;
	p0 =	sne.s32 s6, $0xFFFFFFFF  }
0xe4: {  	s5 =	sadd.s32 $0x1, s5;
	s6 =	smov.u32 s7;
	s7 =	sadd.s32 $0x1, s7  }
0xe5: {  	p1 =	sne.s32 s2, s7;
	v1 =	vld.msk @!p0 [tilespmem:s5+$0x0], $0x1;
	_ =	sdelay $0x4  }
0xe6: {  	(v2sf) =	vpush @!p0 v1, $0x0;
	_ =	sdelay $0xe  }
.Ltmp14:
0xe7: {  	s9 =	spop @!p0 (v2sf);
	(pc) =	sbr.rel @p1 .LBB2_18-.Ltmp14, $4  }
0xe8: {  	p2 =	seq.s32 @!p0 s0, s9  }
0xe9: {  	p2 =	por !p2, p0  }
0xea: {  	s6 =	simm.s32 @p2 $0xFFFFFFFF  }
0xeb: {  	s6 =	smov.u32 @p0 s8  }
.LBB2_19:
0xec: {  	p0 =	sne.s32 s6, $0xFFFFFFFF  }
.Ltmp15:
0xed: {  	_ = 	snop;
	(pc) =	sbr.rel @!p0 .LBB2_20-.Ltmp15, $1  }
0xee: {  	_ =	sdelay $0x3  }
0xef: {  	v0 =	vld.msk [tilespmem:s4+$0xE0], $0x1;
	v1 =	vmov s6  }
.Ltmp16:
0xf0: {  	_ = 	snop;
	(pc) =	sbr.rel .LBB2_22-.Ltmp16, $2  }
0xf1: {  	_ =	sdelay $0x2  }
0xf2: {  	[tilespmem:v1+s3+$0x0], v0 =	vst.idx.ret.add.s32.msk $0x1, v0  }
.LBB2_23:
0xf3: {  	p0 =	slt.s32 s2, $0x1  }
.Ltmp17:
0xf4: {  	_ = 	snop;
	(pc) =	sbr.rel @p0 .LBB2_27-.Ltmp17, $3  }
0xf5: {  	_ =	sdelay $0x1  }
0xf6: {  	s0 =	simm.s32 $0x6  }
0xf7: {  	[sflag:s0] =	ssyncpa.u1 $0x1;
	s0 =	simm.s32 $0x0  }
0xf8: {  	s3 =	simm.s32 $0xC0  }
0xf9: {  	v0 =	vld.msk [tilespmem:s3+$0x0], $0x1;
	_ =	sdelay $0x4  }
0xfa: {  	(v2sf) =	vpush v0, $0x0;
	_ =	sdelay $0xe  }
0xfb: {  	s2 =	sadd.s32 $0xFFFFFFFF, s2;
	s4 =	spop (v2sf)  }
0xfc: {  	p1 =	sne.s32 s2, $0x0;
	p0 =	sgt.u32 s4, $0x3FFFFF  }
.Ltmp18:
0xfd: {  	s5 =	sshrl.u32 @!p0 s4, $0x3;
	(pc) =	sbr.rel @!p1 .LBB2_26-.Ltmp18, $4  }
0xfe: {  	s3 =	simm.s32 $0xE0;
	s4 =	sand.u32 @!p0 $0x7, s4;
	s5 =	sadd.s32 @!p0 s1, s5  }
0xff: {  	[hbm4b:s5+s4] =	stream.linear.scatter @!p0 [tilespmem:s3], [sflag:$0x5], $0x1, $0x38;
	[tilespmem:$0xB520] =	vst v63  }
0x100: {  	s5 =	simm.s32 $0x0  }
0x101: {  	s4 =	simm.s32 $0xC1;
	s5 =	simm.s32 @!p0 $0x4  }
.LBB2_25:
0x102: {  	v0 =	vld.msk [tilespmem:s4+$0x0], $0x1;
	s2 =	sadd.s32 $0xFFFFFFFF, s2;
	s0 =	sadd.s32 s0, s5  }
0x103: {  	p0 =	sne.s32 s2, $0x0;
	_ =	sdelay $0x3  }
0x104: {  	(v2sf) =	vpush v0, $0x0;
	_ =	sdelay $0xe  }
.Ltmp19:
0x105: {  	s6 =	spop (v2sf);
	(pc) =	sbr.rel @p0 .LBB2_25-.Ltmp19, $4  }
0x106: {  	s5 =	simm.s32 $0x0;
	p1 =	sgt.u32 s6, $0x3FFFFF  }
0x107: {  	s3 =	sadd.s32 $0x1, s3;
	s5 =	simm.s32 @!p1 $0x4;
	s7 =	sshrl.u32 @!p1 s6, $0x3  }
0x108: {  	s4 =	sadd.s32 $0x1, s4;
	s6 =	sand.u32 @!p1 $0x7, s6;
	s7 =	sadd.s32 @!p1 s1, s7  }
0x109: {  	[hbm4b:s7+s6] =	stream.linear.scatter @!p1 [tilespmem:s3], [sflag:$0x5], $0x1, $0x38;
	[tilespmem:$0xB520] =	vst v63  }
.LBB2_26:
0x10a: {  	s0 =	sadd.s32 s0, s5  }
0x10b: {  	s0 =	sshrl.u32 s0, $0x2  }
.LBB2_27:
0x10c: {  	s1 =	simm.s32 $0x5  }
0x10d: {  	_ =	swait.ge [sflag:s1], s0  }
0x10e: {  	s28 =	ssub.s32 $0x0, s0;
	[sflag:s1] =	ssyncset.done $0x0  }
0x10f: {  	[sflag:s1] =	ssyncadd.s32 s28  }
0x110: {  	[sflag:s1] =	ssyncpa.u1 $0x1  }
0x111: {  	s29 =	simm.s32 $0x1;
	_ =	sfence  }
0x112: {  	s30 =	simm.s32 $0x2;
	[sflag:s29] =	ssyncpa.u1 $0x1  }
0x113: {  	[sflag:s30] =	ssyncpa.u1 $0x1  }
0x114: {  	_ =	strace $0x90000047  }
0x115: {  	[bflag:$0x2] =	sbarrier.arrive $0xFFFF  }
0x116: {  	s31 =	rddreg [dreg:$0x1]  }
0x117: {  	s0 =	sadd.s32 $0x100000, s31  }
0x118: {  	[sflag:s0] =	ssyncadd.tile.s32 $0x1;
	_ =	shalt  }
.Lfunc_end2:
_tile_overlayer_lowered:
.L_overlay_start_2:
0x119: {  	(tag) =	ssettag $0x2  }
0x11a: {  	s0 =	rddreg [dreg:$0x0];
	s2 =	stileid.u32  }
0x11b: {  	s1 =	rddreg [dreg:$0x1];
	p0 =	sne.s32 s2, $0x0  }
0x11c: {  	s3 =	rddreg [dreg:$0x2];
	[bflag:$0x3] =	sbarrier.arrive $0xFFFF;
	s2 =	simm.s32 @!p0 $0x1C01  }
0x11d: {  	[timem:s3], [sflag:s2] =	dma.local @!p0 [hbm:s0], s1  }
0x11e: {  	s0 =	simm.s32 @!p0 $0x1  }
0x11f: {  	_ =	swait.ge @!p0 [sflag:s0], s1  }
0x120: {  	s1 =	ssub.s32 @!p0 $0x0, s1;
	[sflag:s0] =	ssyncset.done @!p0 $0x0  }
0x121: {  	[sflag:s0] =	ssyncadd.s32 @!p0 s1  }
0x122: {  	[bflag:$0x3] =	sbarrier.arrive $0xFFFF  }
0x123: {  	_ =	shalt  }

</sc_bundles>
